<compile_context>
chip_gen: v7x
topology: tpu7x:2x2x1
jax: 0.10.2.dev20260603
libtpu: 0.0.44.dev20260713+nightly
codegen_flags: <defaults>
</compile_context>

<pallas_src>
import functools

import jax
import jax.numpy as jnp
from jax import lax
from jax.experimental import pallas as pl
from jax.experimental.pallas import tpu as pltpu
from jax.experimental.pallas import tpu_sc as plsc

N = 10000
E = 320000
D = 128
H = 64
C = 10
G = 64

NC = 2
NS = 16
NW = NC * NS
EPW = E // NW
CH = 80
NCH = EPW // CH
NB = 5
NG = -(-NCH // NB)
RPS = 624
TAIL = N - NS * RPS

BLK = 5000
NBLK = N // BLK


def _edge_agg(y2, ei4, zeros):
    mesh = plsc.VectorSubcoreMesh(core_axis_name="c", subcore_axis_name="s")

    @functools.partial(
        pl.kernel,
        mesh=mesh,
        compiler_params=pltpu.CompilerParams(use_tc_tiling_on_sc=False),
        out_type=jax.ShapeDtypeStruct((N, 2 * H), jnp.float32),
        scratch_types=[
            pltpu.VMEM((NCH, CH), jnp.int32),
            pltpu.VMEM((NCH, CH), jnp.int32),
            pltpu.VMEM((NB, CH, H), jnp.float32),
            pltpu.VMEM_SHARED((N, H), jnp.float32),
            [pltpu.SemaphoreType.DMA] * NB,
        ],
    )
    def k(y_hbm, ei_hbm, z_hbm, out_hbm, src_v, dst_v, rows_v, acc, sems):
        c = lax.axis_index("c")
        s = lax.axis_index("s")
        wid = c * NS + s
        pltpu.sync_copy(z_hbm.at[pl.ds(s * RPS, RPS)], acc.at[pl.ds(s * RPS, RPS)])

        @pl.when(s == NS - 1)
        def _():
            pltpu.sync_copy(z_hbm.at[pl.ds(NS * RPS, TAIL)],
                            acc.at[pl.ds(NS * RPS, TAIL)])

        pltpu.sync_copy(ei_hbm.at[0, wid], src_v)
        pltpu.sync_copy(ei_hbm.at[1, wid], dst_v)
        plsc.subcore_barrier()

        def gather(j, b):
            pltpu.async_copy(
                y_hbm.at[src_v.at[j]], rows_v.at[b], sems[b]
            )

        for b in range(NB):
            gather(b, b)

        def body(g, carry):
            for b in range(NB):
                j = g * NB + b

                @pl.when(j < NCH)
                def _():
                    pltpu.make_async_copy(
                        y_hbm.at[src_v.at[j]], rows_v.at[b], sems[b]
                    ).wait()
                    pltpu.sync_copy(rows_v.at[b], acc.at[dst_v.at[j]],
                                    add=True)

                    @pl.when(j + NB < NCH)
                    def _():
                        gather(j + NB, b)

            return carry

        lax.fori_loop(0, NG, body, 0)
        plsc.subcore_barrier()
        pltpu.sync_copy(
            acc.at[pl.ds(s * RPS, RPS)],
            out_hbm.at[pl.ds(s * RPS, RPS), pl.ds(c * H, H)],
        )

        @pl.when(s == NS - 1)
        def _():
            pltpu.sync_copy(
                acc.at[pl.ds(NS * RPS, TAIL)],
                out_hbm.at[pl.ds(NS * RPS, TAIL), pl.ds(c * H, H)],
            )

    return k(y2, ei4, zeros)


def _mm_kernel(x_ref, w_ref, o_ref):
    y = jnp.dot(x_ref[...], w_ref[...], preferred_element_type=jnp.float32)
    o_ref[...] = jnp.concatenate([y, jnp.zeros_like(y)], axis=1)


def _first_matmul(x, w):
    return pl.pallas_call(
        _mm_kernel,
        grid=(NBLK,),
        in_specs=[
            pl.BlockSpec((BLK, D), lambda i: (i, 0)),
            pl.BlockSpec((D, H), lambda i: (0, 0)),
        ],
        out_specs=pl.BlockSpec((BLK, 2 * H), lambda i: (i, 0)),
        out_shape=jax.ShapeDtypeStruct((N, 2 * H), jnp.float32),
    )(x, w)


def _gin_tail(y_ref, p_ref, eps_ref, b1_ref, w2_ref, b2_ref):
    e = eps_ref[0, 0]
    p = p_ref[...]
    t = ((1.0 + e) * y_ref[...][:, :H] + p[:, :H] + p[:, H:] + b1_ref[...])
    t = jnp.maximum(t, 0.0)
    h = jnp.dot(t, w2_ref[...], preferred_element_type=jnp.float32) + b2_ref[...]
    return jnp.maximum(h, 0.0)


def _mid_kernel(y_ref, p_ref, eps_ref, b1_ref, w2_ref, b2_ref, wn_ref, o_ref):
    h = _gin_tail(y_ref, p_ref, eps_ref, b1_ref, w2_ref, b2_ref)
    yn = jnp.dot(h, wn_ref[...], preferred_element_type=jnp.float32)
    o_ref[...] = jnp.concatenate([yn, jnp.zeros_like(yn)], axis=1)


def _mid_stage(y2, parts, eps, b1, w2, b2, w_next):
    return pl.pallas_call(
        _mid_kernel,
        grid=(NBLK,),
        in_specs=[
            pl.BlockSpec((BLK, 2 * H), lambda i: (i, 0)),
            pl.BlockSpec((BLK, 2 * H), lambda i: (i, 0)),
            pl.BlockSpec((1, 1), lambda i: (0, 0)),
            pl.BlockSpec((1, H), lambda i: (0, 0)),
            pl.BlockSpec((H, H), lambda i: (0, 0)),
            pl.BlockSpec((1, H), lambda i: (0, 0)),
            pl.BlockSpec((H, H), lambda i: (0, 0)),
        ],
        out_specs=pl.BlockSpec((BLK, 2 * H), lambda i: (i, 0)),
        out_shape=jax.ShapeDtypeStruct((N, 2 * H), jnp.float32),
    )(y2, parts, eps.reshape(1, 1), b1.reshape(1, H), w2, b2.reshape(1, H),
      w_next)


def _final_kernel(y_ref, p_ref, eps_ref, b1_ref, w2_ref, b2_ref, batch_ref,
                  fcw_ref, fcb_ref, o_ref, pooled):
    i = pl.program_id(0)
    h = _gin_tail(y_ref, p_ref, eps_ref, b1_ref, w2_ref, b2_ref)
    oh = (lax.broadcasted_iota(jnp.int32, (G, BLK), 0) == batch_ref[0]
          ).astype(jnp.float32)
    blockpool = jnp.dot(oh, h, preferred_element_type=jnp.float32)

    @pl.when(i == 0)
    def _():
        pooled[...] = jnp.zeros_like(pooled)

    pooled[...] += blockpool

    @pl.when(i == NBLK - 1)
    def _():
        logits = jnp.dot(pooled[...], fcw_ref[...],
                         preferred_element_type=jnp.float32) + fcb_ref[...]
        m = jnp.max(logits, axis=1, keepdims=True)
        z = logits - m
        lse = jnp.log(jnp.sum(jnp.exp(z), axis=1, keepdims=True))
        o_ref[...] = z - lse


def _final_stage(y2, parts, eps, b1, w2, b2, batch, fc_w, fc_b):
    return pl.pallas_call(
        _final_kernel,
        grid=(NBLK,),
        in_specs=[
            pl.BlockSpec((BLK, 2 * H), lambda i: (i, 0)),
            pl.BlockSpec((BLK, 2 * H), lambda i: (i, 0)),
            pl.BlockSpec((1, 1), lambda i: (0, 0)),
            pl.BlockSpec((1, H), lambda i: (0, 0)),
            pl.BlockSpec((H, H), lambda i: (0, 0)),
            pl.BlockSpec((1, H), lambda i: (0, 0)),
            pl.BlockSpec((1, 1, BLK), lambda i: (i, 0, 0)),
            pl.BlockSpec((H, C), lambda i: (0, 0)),
            pl.BlockSpec((1, C), lambda i: (0, 0)),
        ],
        out_specs=pl.BlockSpec((G, C), lambda i: (0, 0)),
        out_shape=jax.ShapeDtypeStruct((G, C), jnp.float32),
        scratch_shapes=[pltpu.VMEM((G, H), jnp.float32)],
    )(y2, parts, eps.reshape(1, 1), b1.reshape(1, H), w2, b2.reshape(1, H),
      batch.reshape(NBLK, 1, BLK), fc_w, fc_b.reshape(1, C))


def kernel(x, edge_index, batch, l0_W1, l0_b1, l0_W2, l0_b2, eps0,
           l1_W1, l1_b1, l1_W2, l1_b2, eps1, fc_W, fc_b):
    ei4 = (edge_index * jnp.array([[2], [1]], jnp.int32)).reshape(
        2, NW, NCH, CH)
    zeros = jnp.zeros((N, H), jnp.float32)

    y0 = _first_matmul(x, l0_W1)
    parts0 = _edge_agg(y0.reshape(2 * N, H), ei4, zeros)
    y1 = _mid_stage(y0, parts0, eps0, l0_b1, l0_W2, l0_b2, l1_W1)
    parts1 = _edge_agg(y1.reshape(2 * N, H), ei4, zeros)
    return _final_stage(y1, parts1, eps1, l1_b1, l1_W2, l1_b2, batch,
                        fc_W, fc_b)

# --- scband reference (transcript-rebuilt; emitter-appended) ---
"""Pipeline reference for scband-gingraph-classifier-1391569404376 (READ-ONLY COPY).

The authoritative reference and input builder live on the scoring server;
editing this copy changes nothing except your own understanding.
"""

import jax, jax.numpy as jnp
import numpy as np

N = 10000
E = 320000
D = 128
H = 64
C = 10
G = 64


def setup_inputs(seed: int = 0) -> dict:
    key = jax.random.key(seed)
    ks = jax.random.split(key, 16)
    x = jax.random.normal(ks[0], (N, D), dtype=jnp.float32)
    edge_index = jax.random.randint(ks[1], (2, E), 0, N, dtype=jnp.int32)
    batch = jnp.sort(jax.random.randint(ks[2], (N,), 0, G, dtype=jnp.int32))
    s = 0.05
    params = {
        'l0_W1': jax.random.normal(ks[3], (D, H), dtype=jnp.float32) * s,
        'l0_b1': jnp.zeros((H,), dtype=jnp.float32),
        'l0_W2': jax.random.normal(ks[4], (H, H), dtype=jnp.float32) * s,
        'l0_b2': jnp.zeros((H,), dtype=jnp.float32),
        'eps0': jnp.zeros((), dtype=jnp.float32),
        'l1_W1': jax.random.normal(ks[5], (H, H), dtype=jnp.float32) * s,
        'l1_b1': jnp.zeros((H,), dtype=jnp.float32),
        'l1_W2': jax.random.normal(ks[6], (H, H), dtype=jnp.float32) * s,
        'l1_b2': jnp.zeros((H,), dtype=jnp.float32),
        'eps1': jnp.zeros((), dtype=jnp.float32),
        'fc_W': jax.random.normal(ks[7], (H, C), dtype=jnp.float32) * s,
        'fc_b': jnp.zeros((C,), dtype=jnp.float32),
    }
    out = {'x': x, 'edge_index': edge_index, 'batch': batch}
    out.update(params)
    return out


def _gin_conv(x, edge_index, eps, W1, b1, W2, b2):
    src = edge_index[0]
    dst = edge_index[1]
    msgs = jnp.take(x, src, axis=0)
    agg = jax.ops.segment_sum(msgs, dst, num_segments=x.shape[0])
    h = (1.0 + eps) * x + agg
    h = jax.nn.relu(h @ W1 + b1)
    h = jax.nn.relu(h @ W2 + b2)
    return h


def reference(x, edge_index, batch, l0_W1, l0_b1, l0_W2, l0_b2, eps0,
              l1_W1, l1_b1, l1_W2, l1_b2, eps1, fc_W, fc_b):
    # layer 0 (dropout is identity in eval mode)
    h = _gin_conv(x, edge_index, eps0, l0_W1, l0_b1, l0_W2, l0_b2)
    h = jax.nn.relu(h)
    # layer 1
    h = _gin_conv(h, edge_index, eps1, l1_W1, l1_b1, l1_W2, l1_b2)
    h = jax.nn.relu(h)
    # global add pool over graphs
    pooled = jax.ops.segment_sum(h, batch, num_segments=G)
    logits = pooled @ fc_W + fc_b
    return jax.nn.log_softmax(logits, axis=1)

if __name__ == "__main__":
    import jax
    _d = setup_inputs()
    print(jax.jit(kernel)(*tuple(_d.values())))

</pallas_src>

<mosaic_0001>
#map = affine_map<(d0, d1) -> (0, 0)>
#map1 = affine_map<(d0, d1) -> (0, 0, 0, 0)>
module attributes {stable_mosaic.version = 14 : i64} {
  func.func @k(%arg0: i32, %arg1: i32, %arg2: memref<20000x64xf32, #tpu.memory_space<hbm>>, %arg3: memref<2x32x125x80xi32, #tpu.memory_space<hbm>>, %arg4: memref<10000x64xf32, #tpu.memory_space<hbm>>, %arg5: memref<10000x128xf32, #tpu.memory_space<hbm>>, %arg6: memref<125x80xi32, #tpu.memory_space<vmem>>, %arg7: memref<125x80xi32, #tpu.memory_space<vmem>>, %arg8: memref<5x80x64xf32, #tpu.memory_space<vmem>>, %arg9: memref<10000x64xf32, #tpu.memory_space<vmem_shared>>, %arg10: memref<!tpu.dma_semaphore, #tpu.memory_space<semaphore_mem>>, %arg11: memref<!tpu.dma_semaphore, #tpu.memory_space<semaphore_mem>>, %arg12: memref<!tpu.dma_semaphore, #tpu.memory_space<semaphore_mem>>, %arg13: memref<!tpu.dma_semaphore, #tpu.memory_space<semaphore_mem>>, %arg14: memref<!tpu.dma_semaphore, #tpu.memory_space<semaphore_mem>>) attributes {dimension_semantics = [#tpu.dimension_semantics<core_parallel>, #tpu.dimension_semantics<subcore_parallel>], iteration_bounds = array<i64: 2, 16>, scalar_prefetch = 0 : i64, scratch_operands = 9 : i64, tpu.core_type = #tpu.core_type<sc_vector_subcore>, window_params = [{transform_indices = #map}, {transform_indices = #map1}, {transform_indices = #map}, {transform_indices = #map}]} {
    %mul3A = arith.constant 16 : i32
    %mul3A_0 = arith.muli %arg0, %mul3A : i32
    %add3A = arith.addi %mul3A_0, %arg1 : i32
    %mul3A_1 = arith.constant 624 : i32
    %mul3A_2 = arith.muli %arg1, %mul3A_1 : i32
    %mul3A_3 = arith.constant 624 : i32
    %mul3A_4 = arith.muli %arg1, %mul3A_3 : i32
    "tpu.region"() ({
      %run_scoped3A_84 = tpu.sem_alloc : memref<!tpu.dma_semaphore, #tpu.memory_space<semaphore_mem>>
      %dma_start3A_85 = arith.constant 0 : i32
      %dma_start3A_86 = tpu.memref_slice %arg9[%mul3A_4, %dma_start3A_85] : memref<10000x64xf32, #tpu.memory_space<vmem_shared>> -> memref<624x64xf32, #tpu.memory_space<vmem_shared>>
      %dma_start3A_87 = arith.constant 0 : i32
      %dma_start3A_88 = tpu.memref_slice %arg4[%mul3A_2, %dma_start3A_87] : memref<10000x64xf32, #tpu.memory_space<hbm>> -> memref<624x64xf32, #tpu.memory_space<hbm>>
      tpu.enqueue_dma source(%dma_start3A_88 : memref<624x64xf32, #tpu.memory_space<hbm>>) target(%dma_start3A_86 : memref<624x64xf32, #tpu.memory_space<vmem_shared>>) target_semaphore(%run_scoped3A_84 : memref<!tpu.dma_semaphore, #tpu.memory_space<semaphore_mem>>)
      %dma_wait3A = arith.constant 0 : i32
      %dma_wait3A_89 = tpu.memref_slice %arg9[%mul3A_4, %dma_wait3A] : memref<10000x64xf32, #tpu.memory_space<vmem_shared>> -> memref<624x64xf32, #tpu.memory_space<vmem_shared>>
      %dma_wait3A_90 = arith.constant 0 : i32
      %dma_wait3A_91 = tpu.memref_slice %arg4[%mul3A_2, %dma_wait3A_90] : memref<10000x64xf32, #tpu.memory_space<hbm>> -> memref<624x64xf32, #tpu.memory_space<hbm>>
      tpu.wait_dma2 semaphore(%run_scoped3A_84 : memref<!tpu.dma_semaphore, #tpu.memory_space<semaphore_mem>>) src(%dma_wait3A_91 : memref<624x64xf32, #tpu.memory_space<hbm>>) dst(%dma_wait3A_89 : memref<624x64xf32, #tpu.memory_space<vmem_shared>>)
      tpu.yield
    }) : () -> ()
    %eq3A = arith.constant 15 : i32
    %eq3A_5 = arith.cmpi eq, %arg1, %eq3A : i32
    %convert_element_type3A = arith.extui %eq3A_5 : i1 to i32
    %cond3A = arith.constant 0 : i32
    %cond3A_6 = arith.cmpi ne, %convert_element_type3A, %cond3A : i32
    scf.if %cond3A_6 {
      "tpu.region"() ({
        %run_scoped3A_84 = tpu.sem_alloc : memref<!tpu.dma_semaphore, #tpu.memory_space<semaphore_mem>>
        %dma_start3A_85 = arith.constant 9984 : i32
        %dma_start3A_86 = arith.constant 0 : i32
        %dma_start3A_87 = tpu.memref_slice %arg9[%dma_start3A_85, %dma_start3A_86] : memref<10000x64xf32, #tpu.memory_space<vmem_shared>> -> memref<16x64xf32, #tpu.memory_space<vmem_shared>>
        %dma_start3A_88 = arith.constant 9984 : i32
        %dma_start3A_89 = arith.constant 0 : i32
        %dma_start3A_90 = tpu.memref_slice %arg4[%dma_start3A_88, %dma_start3A_89] : memref<10000x64xf32, #tpu.memory_space<hbm>> -> memref<16x64xf32, #tpu.memory_space<hbm>>
        tpu.enqueue_dma source(%dma_start3A_90 : memref<16x64xf32, #tpu.memory_space<hbm>>) target(%dma_start3A_87 : memref<16x64xf32, #tpu.memory_space<vmem_shared>>) target_semaphore(%run_scoped3A_84 : memref<!tpu.dma_semaphore, #tpu.memory_space<semaphore_mem>>)
        %dma_wait3A = arith.constant 9984 : i32
        %dma_wait3A_91 = arith.constant 0 : i32
        %dma_wait3A_92 = tpu.memref_slice %arg9[%dma_wait3A, %dma_wait3A_91] : memref<10000x64xf32, #tpu.memory_space<vmem_shared>> -> memref<16x64xf32, #tpu.memory_space<vmem_shared>>
        %dma_wait3A_93 = arith.constant 9984 : i32
        %dma_wait3A_94 = arith.constant 0 : i32
        %dma_wait3A_95 = tpu.memref_slice %arg4[%dma_wait3A_93, %dma_wait3A_94] : memref<10000x64xf32, #tpu.memory_space<hbm>> -> memref<16x64xf32, #tpu.memory_space<hbm>>
        tpu.wait_dma2 semaphore(%run_scoped3A_84 : memref<!tpu.dma_semaphore, #tpu.memory_space<semaphore_mem>>) src(%dma_wait3A_95 : memref<16x64xf32, #tpu.memory_space<hbm>>) dst(%dma_wait3A_92 : memref<16x64xf32, #tpu.memory_space<vmem_shared>>)
        tpu.yield
      }) : () -> ()
    } else {
    }
    %run_scoped3A = arith.constant 0 : i32
    "tpu.region"() ({
      %run_scoped3A_84 = tpu.sem_alloc : memref<!tpu.dma_semaphore, #tpu.memory_space<semaphore_mem>>
      %dma_start3A_85 = arith.constant 0 : i32
      %dma_start3A_86 = arith.constant 0 : i32
      %dma_start3A_87 = tpu.memref_slice %arg3[%run_scoped3A, %add3A, %dma_start3A_85, %dma_start3A_86] : memref<2x32x125x80xi32, #tpu.memory_space<hbm>> -> memref<1x1x125x80xi32, #tpu.memory_space<hbm>>
      %dma_start3A_88 = tpu.memref_squeeze %dma_start3A_87 : memref<1x1x125x80xi32, #tpu.memory_space<hbm>> -> memref<125x80xi32, #tpu.memory_space<hbm>>
      %dma_start3A_89 = arith.constant 0 : i32
      %dma_start3A_90 = arith.constant 0 : i32
      %dma_start3A_91 = tpu.memref_slice %arg3[%run_scoped3A, %add3A, %dma_start3A_89, %dma_start3A_90] : memref<2x32x125x80xi32, #tpu.memory_space<hbm>> -> memref<1x1x125x80xi32, #tpu.memory_space<hbm>>
      %dma_start3A_92 = tpu.memref_squeeze %dma_start3A_91 : memref<1x1x125x80xi32, #tpu.memory_space<hbm>> -> memref<125x80xi32, #tpu.memory_space<hbm>>
      tpu.enqueue_dma source(%dma_start3A_92 : memref<125x80xi32, #tpu.memory_space<hbm>>) target(%arg6 : memref<125x80xi32, #tpu.memory_space<vmem>>) target_semaphore(%run_scoped3A_84 : memref<!tpu.dma_semaphore, #tpu.memory_space<semaphore_mem>>)
      %dma_wait3A = arith.constant 0 : i32
      %dma_wait3A_93 = arith.constant 0 : i32
      %dma_wait3A_94 = tpu.memref_slice %arg3[%run_scoped3A, %add3A, %dma_wait3A, %dma_wait3A_93] : memref<2x32x125x80xi32, #tpu.memory_space<hbm>> -> memref<1x1x125x80xi32, #tpu.memory_space<hbm>>
      %dma_wait3A_95 = tpu.memref_squeeze %dma_wait3A_94 : memref<1x1x125x80xi32, #tpu.memory_space<hbm>> -> memref<125x80xi32, #tpu.memory_space<hbm>>
      %dma_wait3A_96 = arith.constant 0 : i32
      %dma_wait3A_97 = arith.constant 0 : i32
      %dma_wait3A_98 = tpu.memref_slice %arg3[%run_scoped3A, %add3A, %dma_wait3A_96, %dma_wait3A_97] : memref<2x32x125x80xi32, #tpu.memory_space<hbm>> -> memref<1x1x125x80xi32, #tpu.memory_space<hbm>>
      %dma_wait3A_99 = tpu.memref_squeeze %dma_wait3A_98 : memref<1x1x125x80xi32, #tpu.memory_space<hbm>> -> memref<125x80xi32, #tpu.memory_space<hbm>>
      tpu.wait_dma2 semaphore(%run_scoped3A_84 : memref<!tpu.dma_semaphore, #tpu.memory_space<semaphore_mem>>) src(%dma_wait3A_99 : memref<125x80xi32, #tpu.memory_space<hbm>>) dst(%arg6 : memref<125x80xi32, #tpu.memory_space<vmem>>)
      tpu.yield
    }) : () -> ()
    %run_scoped3A_7 = arith.constant 1 : i32
    "tpu.region"() ({
      %run_scoped3A_84 = tpu.sem_alloc : memref<!tpu.dma_semaphore, #tpu.memory_space<semaphore_mem>>
      %dma_start3A_85 = arith.constant 0 : i32
      %dma_start3A_86 = arith.constant 0 : i32
      %dma_start3A_87 = tpu.memref_slice %arg3[%run_scoped3A_7, %add3A, %dma_start3A_85, %dma_start3A_86] : memref<2x32x125x80xi32, #tpu.memory_space<hbm>> -> memref<1x1x125x80xi32, #tpu.memory_space<hbm>>
      %dma_start3A_88 = tpu.memref_squeeze %dma_start3A_87 : memref<1x1x125x80xi32, #tpu.memory_space<hbm>> -> memref<125x80xi32, #tpu.memory_space<hbm>>
      %dma_start3A_89 = arith.constant 0 : i32
      %dma_start3A_90 = arith.constant 0 : i32
      %dma_start3A_91 = tpu.memref_slice %arg3[%run_scoped3A_7, %add3A, %dma_start3A_89, %dma_start3A_90] : memref<2x32x125x80xi32, #tpu.memory_space<hbm>> -> memref<1x1x125x80xi32, #tpu.memory_space<hbm>>
      %dma_start3A_92 = tpu.memref_squeeze %dma_start3A_91 : memref<1x1x125x80xi32, #tpu.memory_space<hbm>> -> memref<125x80xi32, #tpu.memory_space<hbm>>
      tpu.enqueue_dma source(%dma_start3A_92 : memref<125x80xi32, #tpu.memory_space<hbm>>) target(%arg7 : memref<125x80xi32, #tpu.memory_space<vmem>>) target_semaphore(%run_scoped3A_84 : memref<!tpu.dma_semaphore, #tpu.memory_space<semaphore_mem>>)
      %dma_wait3A = arith.constant 0 : i32
      %dma_wait3A_93 = arith.constant 0 : i32
      %dma_wait3A_94 = tpu.memref_slice %arg3[%run_scoped3A_7, %add3A, %dma_wait3A, %dma_wait3A_93] : memref<2x32x125x80xi32, #tpu.memory_space<hbm>> -> memref<1x1x125x80xi32, #tpu.memory_space<hbm>>
      %dma_wait3A_95 = tpu.memref_squeeze %dma_wait3A_94 : memref<1x1x125x80xi32, #tpu.memory_space<hbm>> -> memref<125x80xi32, #tpu.memory_space<hbm>>
      %dma_wait3A_96 = arith.constant 0 : i32
      %dma_wait3A_97 = arith.constant 0 : i32
      %dma_wait3A_98 = tpu.memref_slice %arg3[%run_scoped3A_7, %add3A, %dma_wait3A_96, %dma_wait3A_97] : memref<2x32x125x80xi32, #tpu.memory_space<hbm>> -> memref<1x1x125x80xi32, #tpu.memory_space<hbm>>
      %dma_wait3A_99 = tpu.memref_squeeze %dma_wait3A_98 : memref<1x1x125x80xi32, #tpu.memory_space<hbm>> -> memref<125x80xi32, #tpu.memory_space<hbm>>
      tpu.wait_dma2 semaphore(%run_scoped3A_84 : memref<!tpu.dma_semaphore, #tpu.memory_space<semaphore_mem>>) src(%dma_wait3A_99 : memref<125x80xi32, #tpu.memory_space<hbm>>) dst(%arg7 : memref<125x80xi32, #tpu.memory_space<vmem>>)
      tpu.yield
    }) : () -> ()
    %barrier3A = arith.constant 0 : index
    tpu.barrier barrier_id(%barrier3A)
    %dma_start3A = arith.constant 0 : i32
    %dma_start3A_8 = arith.constant 0 : i32
    %dma_start3A_9 = arith.constant 0 : i32
    %dma_start3A_10 = arith.constant 0 : i32
    %dma_start3A_11 = tpu.memref_slice %arg8[%dma_start3A_8, %dma_start3A_9, %dma_start3A_10] : memref<5x80x64xf32, #tpu.memory_space<vmem>> -> memref<1x80x64xf32, #tpu.memory_space<vmem>>
    %dma_start3A_12 = tpu.memref_squeeze %dma_start3A_11 : memref<1x80x64xf32, #tpu.memory_space<vmem>> -> memref<80x64xf32, #tpu.memory_space<vmem>>
    %dma_start3A_13 = arith.constant 0 : i32
    %dma_start3A_14 = tpu.memref_slice %arg6[%dma_start3A, %dma_start3A_13] : memref<125x80xi32, #tpu.memory_space<vmem>> -> memref<1x80xi32, #tpu.memory_space<vmem>>
    %dma_start3A_15 = tpu.memref_squeeze %dma_start3A_14 : memref<1x80xi32, #tpu.memory_space<vmem>> -> memref<80xi32, #tpu.memory_space<vmem>>
    %dma_start3A_16 = arith.constant 0 : i32
    %dma_start3A_17 = arith.constant 0 : i32
    %dma_start3A_18 = tpu.memref_slice %arg2[%dma_start3A_16, %dma_start3A_17] : memref<20000x64xf32, #tpu.memory_space<hbm>> -> memref<20000x64xf32, #tpu.memory_space<hbm>>
    tpu.enqueue_indirect_dma source(%dma_start3A_18 : memref<20000x64xf32, #tpu.memory_space<hbm>>) target(%dma_start3A_12 : memref<80x64xf32, #tpu.memory_space<vmem>>) offsets(%dma_start3A_15 : memref<80xi32, #tpu.memory_space<vmem>>) semaphore(%arg10 : memref<!tpu.dma_semaphore, #tpu.memory_space<semaphore_mem>>)
    %dma_start3A_19 = arith.constant 1 : i32
    %dma_start3A_20 = arith.constant 1 : i32
    %dma_start3A_21 = arith.constant 0 : i32
    %dma_start3A_22 = arith.constant 0 : i32
    %dma_start3A_23 = tpu.memref_slice %arg8[%dma_start3A_20, %dma_start3A_21, %dma_start3A_22] : memref<5x80x64xf32, #tpu.memory_space<vmem>> -> memref<1x80x64xf32, #tpu.memory_space<vmem>>
    %dma_start3A_24 = tpu.memref_squeeze %dma_start3A_23 : memref<1x80x64xf32, #tpu.memory_space<vmem>> -> memref<80x64xf32, #tpu.memory_space<vmem>>
    %dma_start3A_25 = arith.constant 0 : i32
    %dma_start3A_26 = tpu.memref_slice %arg6[%dma_start3A_19, %dma_start3A_25] : memref<125x80xi32, #tpu.memory_space<vmem>> -> memref<1x80xi32, #tpu.memory_space<vmem>>
    %dma_start3A_27 = tpu.memref_squeeze %dma_start3A_26 : memref<1x80xi32, #tpu.memory_space<vmem>> -> memref<80xi32, #tpu.memory_space<vmem>>
    %dma_start3A_28 = arith.constant 0 : i32
    %dma_start3A_29 = arith.constant 0 : i32
    %dma_start3A_30 = tpu.memref_slice %arg2[%dma_start3A_28, %dma_start3A_29] : memref<20000x64xf32, #tpu.memory_space<hbm>> -> memref<20000x64xf32, #tpu.memory_space<hbm>>
    tpu.enqueue_indirect_dma source(%dma_start3A_30 : memref<20000x64xf32, #tpu.memory_space<hbm>>) target(%dma_start3A_24 : memref<80x64xf32, #tpu.memory_space<vmem>>) offsets(%dma_start3A_27 : memref<80xi32, #tpu.memory_space<vmem>>) semaphore(%arg11 : memref<!tpu.dma_semaphore, #tpu.memory_space<semaphore_mem>>)
    %dma_start3A_31 = arith.constant 2 : i32
    %dma_start3A_32 = arith.constant 2 : i32
    %dma_start3A_33 = arith.constant 0 : i32
    %dma_start3A_34 = arith.constant 0 : i32
    %dma_start3A_35 = tpu.memref_slice %arg8[%dma_start3A_32, %dma_start3A_33, %dma_start3A_34] : memref<5x80x64xf32, #tpu.memory_space<vmem>> -> memref<1x80x64xf32, #tpu.memory_space<vmem>>
    %dma_start3A_36 = tpu.memref_squeeze %dma_start3A_35 : memref<1x80x64xf32, #tpu.memory_space<vmem>> -> memref<80x64xf32, #tpu.memory_space<vmem>>
    %dma_start3A_37 = arith.constant 0 : i32
    %dma_start3A_38 = tpu.memref_slice %arg6[%dma_start3A_31, %dma_start3A_37] : memref<125x80xi32, #tpu.memory_space<vmem>> -> memref<1x80xi32, #tpu.memory_space<vmem>>
    %dma_start3A_39 = tpu.memref_squeeze %dma_start3A_38 : memref<1x80xi32, #tpu.memory_space<vmem>> -> memref<80xi32, #tpu.memory_space<vmem>>
    %dma_start3A_40 = arith.constant 0 : i32
    %dma_start3A_41 = arith.constant 0 : i32
    %dma_start3A_42 = tpu.memref_slice %arg2[%dma_start3A_40, %dma_start3A_41] : memref<20000x64xf32, #tpu.memory_space<hbm>> -> memref<20000x64xf32, #tpu.memory_space<hbm>>
    tpu.enqueue_indirect_dma source(%dma_start3A_42 : memref<20000x64xf32, #tpu.memory_space<hbm>>) target(%dma_start3A_36 : memref<80x64xf32, #tpu.memory_space<vmem>>) offsets(%dma_start3A_39 : memref<80xi32, #tpu.memory_space<vmem>>) semaphore(%arg12 : memref<!tpu.dma_semaphore, #tpu.memory_space<semaphore_mem>>)
    %dma_start3A_43 = arith.constant 3 : i32
    %dma_start3A_44 = arith.constant 3 : i32
    %dma_start3A_45 = arith.constant 0 : i32
    %dma_start3A_46 = arith.constant 0 : i32
    %dma_start3A_47 = tpu.memref_slice %arg8[%dma_start3A_44, %dma_start3A_45, %dma_start3A_46] : memref<5x80x64xf32, #tpu.memory_space<vmem>> -> memref<1x80x64xf32, #tpu.memory_space<vmem>>
    %dma_start3A_48 = tpu.memref_squeeze %dma_start3A_47 : memref<1x80x64xf32, #tpu.memory_space<vmem>> -> memref<80x64xf32, #tpu.memory_space<vmem>>
    %dma_start3A_49 = arith.constant 0 : i32
    %dma_start3A_50 = tpu.memref_slice %arg6[%dma_start3A_43, %dma_start3A_49] : memref<125x80xi32, #tpu.memory_space<vmem>> -> memref<1x80xi32, #tpu.memory_space<vmem>>
    %dma_start3A_51 = tpu.memref_squeeze %dma_start3A_50 : memref<1x80xi32, #tpu.memory_space<vmem>> -> memref<80xi32, #tpu.memory_space<vmem>>
    %dma_start3A_52 = arith.constant 0 : i32
    %dma_start3A_53 = arith.constant 0 : i32
    %dma_start3A_54 = tpu.memref_slice %arg2[%dma_start3A_52, %dma_start3A_53] : memref<20000x64xf32, #tpu.memory_space<hbm>> -> memref<20000x64xf32, #tpu.memory_space<hbm>>
    tpu.enqueue_indirect_dma source(%dma_start3A_54 : memref<20000x64xf32, #tpu.memory_space<hbm>>) target(%dma_start3A_48 : memref<80x64xf32, #tpu.memory_space<vmem>>) offsets(%dma_start3A_51 : memref<80xi32, #tpu.memory_space<vmem>>) semaphore(%arg13 : memref<!tpu.dma_semaphore, #tpu.memory_space<semaphore_mem>>)
    %dma_start3A_55 = arith.constant 4 : i32
    %dma_start3A_56 = arith.constant 4 : i32
    %dma_start3A_57 = arith.constant 0 : i32
    %dma_start3A_58 = arith.constant 0 : i32
    %dma_start3A_59 = tpu.memref_slice %arg8[%dma_start3A_56, %dma_start3A_57, %dma_start3A_58] : memref<5x80x64xf32, #tpu.memory_space<vmem>> -> memref<1x80x64xf32, #tpu.memory_space<vmem>>
    %dma_start3A_60 = tpu.memref_squeeze %dma_start3A_59 : memref<1x80x64xf32, #tpu.memory_space<vmem>> -> memref<80x64xf32, #tpu.memory_space<vmem>>
    %dma_start3A_61 = arith.constant 0 : i32
    %dma_start3A_62 = tpu.memref_slice %arg6[%dma_start3A_55, %dma_start3A_61] : memref<125x80xi32, #tpu.memory_space<vmem>> -> memref<1x80xi32, #tpu.memory_space<vmem>>
    %dma_start3A_63 = tpu.memref_squeeze %dma_start3A_62 : memref<1x80xi32, #tpu.memory_space<vmem>> -> memref<80xi32, #tpu.memory_space<vmem>>
    %dma_start3A_64 = arith.constant 0 : i32
    %dma_start3A_65 = arith.constant 0 : i32
    %dma_start3A_66 = tpu.memref_slice %arg2[%dma_start3A_64, %dma_start3A_65] : memref<20000x64xf32, #tpu.memory_space<hbm>> -> memref<20000x64xf32, #tpu.memory_space<hbm>>
    tpu.enqueue_indirect_dma source(%dma_start3A_66 : memref<20000x64xf32, #tpu.memory_space<hbm>>) target(%dma_start3A_60 : memref<80x64xf32, #tpu.memory_space<vmem>>) offsets(%dma_start3A_63 : memref<80xi32, #tpu.memory_space<vmem>>) semaphore(%arg14 : memref<!tpu.dma_semaphore, #tpu.memory_space<semaphore_mem>>)
    %scan3A = arith.constant 0 : i32
    %scan3A_67 = arith.constant 0 : i32
    %scan3A_68 = arith.constant 25 : i32
    %scan3A_69 = arith.addi %scan3A_67, %scan3A_68 : i32
    %scan3A_70 = arith.constant 1 : i32
    scf.for %scan3A_84 = %scan3A_67 to %scan3A_69 step %scan3A_70  : i32 {
      %mul3A_85 = arith.constant 5 : i32
      %mul3A_86 = arith.muli %scan3A_84, %mul3A_85 : i32
      %add3A_87 = arith.constant 0 : i32
      %add3A_88 = arith.addi %mul3A_86, %add3A_87 : i32
      %lt3A = arith.constant 125 : i32
      %lt3A_89 = arith.cmpi slt, %add3A_88, %lt3A : i32
      %convert_element_type3A_90 = arith.extui %lt3A_89 : i1 to i32
      %cond3A_91 = arith.constant 0 : i32
      %cond3A_92 = arith.cmpi ne, %convert_element_type3A_90, %cond3A_91 : i32
      scf.if %cond3A_92 {
        %dma_wait3A = arith.constant 0 : i32
        %dma_wait3A_129 = arith.constant 0 : i32
        %dma_wait3A_130 = arith.constant 0 : i32
        %dma_wait3A_131 = tpu.memref_slice %arg8[%dma_wait3A, %dma_wait3A_129, %dma_wait3A_130] : memref<5x80x64xf32, #tpu.memory_space<vmem>> -> memref<1x80x64xf32, #tpu.memory_space<vmem>>
        %dma_wait3A_132 = tpu.memref_squeeze %dma_wait3A_131 : memref<1x80x64xf32, #tpu.memory_space<vmem>> -> memref<80x64xf32, #tpu.memory_space<vmem>>
        %dma_wait3A_133 = arith.constant 0 : i32
        %dma_wait3A_134 = tpu.memref_slice %arg6[%add3A_88, %dma_wait3A_133] : memref<125x80xi32, #tpu.memory_space<vmem>> -> memref<1x80xi32, #tpu.memory_space<vmem>>
        %dma_wait3A_135 = tpu.memref_squeeze %dma_wait3A_134 : memref<1x80xi32, #tpu.memory_space<vmem>> -> memref<80xi32, #tpu.memory_space<vmem>>
        %dma_wait3A_136 = arith.constant 0 : i32
        %dma_wait3A_137 = arith.constant 0 : i32
        %dma_wait3A_138 = tpu.memref_slice %arg2[%dma_wait3A_136, %dma_wait3A_137] : memref<20000x64xf32, #tpu.memory_space<hbm>> -> memref<20000x64xf32, #tpu.memory_space<hbm>>
        tpu.wait_indirect_dma semaphore(%arg10 : memref<!tpu.dma_semaphore, #tpu.memory_space<semaphore_mem>>) src(%dma_wait3A_138 : memref<20000x64xf32, #tpu.memory_space<hbm>>) dst(%dma_wait3A_132 : memref<80x64xf32, #tpu.memory_space<vmem>>)
        %run_scoped3A_139 = arith.constant 0 : i32
        "tpu.region"() ({
          %run_scoped3A_147 = tpu.sem_alloc : memref<!tpu.dma_semaphore, #tpu.memory_space<semaphore_mem>>
          %dma_start3A_148 = arith.constant 0 : i32
          %dma_start3A_149 = arith.constant 0 : i32
          %dma_start3A_150 = tpu.memref_slice %arg8[%run_scoped3A_139, %dma_start3A_148, %dma_start3A_149] : memref<5x80x64xf32, #tpu.memory_space<vmem>> -> memref<1x80x64xf32, #tpu.memory_space<vmem>>
          %dma_start3A_151 = tpu.memref_squeeze %dma_start3A_150 : memref<1x80x64xf32, #tpu.memory_space<vmem>> -> memref<80x64xf32, #tpu.memory_space<vmem>>
          %dma_start3A_152 = arith.constant 0 : i32
          %dma_start3A_153 = tpu.memref_slice %arg7[%add3A_88, %dma_start3A_152] : memref<125x80xi32, #tpu.memory_space<vmem>> -> memref<1x80xi32, #tpu.memory_space<vmem>>
          %dma_start3A_154 = tpu.memref_squeeze %dma_start3A_153 : memref<1x80xi32, #tpu.memory_space<vmem>> -> memref<80xi32, #tpu.memory_space<vmem>>
          %dma_start3A_155 = arith.constant 0 : i32
          %dma_start3A_156 = arith.constant 0 : i32
          %dma_start3A_157 = tpu.memref_slice %arg9[%dma_start3A_155, %dma_start3A_156] : memref<10000x64xf32, #tpu.memory_space<vmem_shared>> -> memref<10000x64xf32, #tpu.memory_space<vmem_shared>>
          tpu.enqueue_indirect_dma source(%dma_start3A_151 : memref<80x64xf32, #tpu.memory_space<vmem>>) target(%dma_start3A_157 : memref<10000x64xf32, #tpu.memory_space<vmem_shared>>) offsets(%dma_start3A_154 : memref<80xi32, #tpu.memory_space<vmem>>) semaphore(%run_scoped3A_147 : memref<!tpu.dma_semaphore, #tpu.memory_space<semaphore_mem>>) {add = true}
          %dma_wait3A_158 = arith.constant 0 : i32
          %dma_wait3A_159 = arith.constant 0 : i32
          %dma_wait3A_160 = tpu.memref_slice %arg8[%run_scoped3A_139, %dma_wait3A_158, %dma_wait3A_159] : memref<5x80x64xf32, #tpu.memory_space<vmem>> -> memref<1x80x64xf32, #tpu.memory_space<vmem>>
          %dma_wait3A_161 = tpu.memref_squeeze %dma_wait3A_160 : memref<1x80x64xf32, #tpu.memory_space<vmem>> -> memref<80x64xf32, #tpu.memory_space<vmem>>
          %dma_wait3A_162 = arith.constant 0 : i32
          %dma_wait3A_163 = tpu.memref_slice %arg7[%add3A_88, %dma_wait3A_162] : memref<125x80xi32, #tpu.memory_space<vmem>> -> memref<1x80xi32, #tpu.memory_space<vmem>>
          %dma_wait3A_164 = tpu.memref_squeeze %dma_wait3A_163 : memref<1x80xi32, #tpu.memory_space<vmem>> -> memref<80xi32, #tpu.memory_space<vmem>>
          %dma_wait3A_165 = arith.constant 0 : i32
          %dma_wait3A_166 = arith.constant 0 : i32
          %dma_wait3A_167 = tpu.memref_slice %arg9[%dma_wait3A_165, %dma_wait3A_166] : memref<10000x64xf32, #tpu.memory_space<vmem_shared>> -> memref<10000x64xf32, #tpu.memory_space<vmem_shared>>
          tpu.wait_indirect_dma semaphore(%run_scoped3A_147 : memref<!tpu.dma_semaphore, #tpu.memory_space<semaphore_mem>>) src(%dma_wait3A_161 : memref<80x64xf32, #tpu.memory_space<vmem>>) dst(%dma_wait3A_167 : memref<10000x64xf32, #tpu.memory_space<vmem_shared>>)
          tpu.yield
        }) : () -> ()
        %add3A_140 = arith.constant 5 : i32
        %add3A_141 = arith.addi %add3A_88, %add3A_140 : i32
        %lt3A_142 = arith.constant 125 : i32
        %lt3A_143 = arith.cmpi slt, %add3A_141, %lt3A_142 : i32
        %convert_element_type3A_144 = arith.extui %lt3A_143 : i1 to i32
        %cond3A_145 = arith.constant 0 : i32
        %cond3A_146 = arith.cmpi ne, %convert_element_type3A_144, %cond3A_145 : i32
        scf.if %cond3A_146 {
          %add3A_147 = arith.constant 5 : i32
          %add3A_148 = arith.addi %add3A_88, %add3A_147 : i32
          %dma_start3A_149 = arith.constant 0 : i32
          %dma_start3A_150 = arith.constant 0 : i32
          %dma_start3A_151 = arith.constant 0 : i32
          %dma_start3A_152 = tpu.memref_slice %arg8[%dma_start3A_149, %dma_start3A_150, %dma_start3A_151] : memref<5x80x64xf32, #tpu.memory_space<vmem>> -> memref<1x80x64xf32, #tpu.memory_space<vmem>>
          %dma_start3A_153 = tpu.memref_squeeze %dma_start3A_152 : memref<1x80x64xf32, #tpu.memory_space<vmem>> -> memref<80x64xf32, #tpu.memory_space<vmem>>
          %dma_start3A_154 = arith.constant 0 : i32
          %dma_start3A_155 = tpu.memref_slice %arg6[%add3A_148, %dma_start3A_154] : memref<125x80xi32, #tpu.memory_space<vmem>> -> memref<1x80xi32, #tpu.memory_space<vmem>>
          %dma_start3A_156 = tpu.memref_squeeze %dma_start3A_155 : memref<1x80xi32, #tpu.memory_space<vmem>> -> memref<80xi32, #tpu.memory_space<vmem>>
          %dma_start3A_157 = arith.constant 0 : i32
          %dma_start3A_158 = arith.constant 0 : i32
          %dma_start3A_159 = tpu.memref_slice %arg2[%dma_start3A_157, %dma_start3A_158] : memref<20000x64xf32, #tpu.memory_space<hbm>> -> memref<20000x64xf32, #tpu.memory_space<hbm>>
          tpu.enqueue_indirect_dma source(%dma_start3A_159 : memref<20000x64xf32, #tpu.memory_space<hbm>>) target(%dma_start3A_153 : memref<80x64xf32, #tpu.memory_space<vmem>>) offsets(%dma_start3A_156 : memref<80xi32, #tpu.memory_space<vmem>>) semaphore(%arg10 : memref<!tpu.dma_semaphore, #tpu.memory_space<semaphore_mem>>)
        } else {
        }
      } else {
      }
      %mul3A_93 = arith.constant 5 : i32
      %mul3A_94 = arith.muli %scan3A_84, %mul3A_93 : i32
      %add3A_95 = arith.constant 1 : i32
      %add3A_96 = arith.addi %mul3A_94, %add3A_95 : i32
      %lt3A_97 = arith.constant 125 : i32
      %lt3A_98 = arith.cmpi slt, %add3A_96, %lt3A_97 : i32
      %convert_element_type3A_99 = arith.extui %lt3A_98 : i1 to i32
      %cond3A_100 = arith.constant 0 : i32
      %cond3A_101 = arith.cmpi ne, %convert_element_type3A_99, %cond3A_100 : i32
      scf.if %cond3A_101 {
        %dma_wait3A = arith.constant 1 : i32
        %dma_wait3A_129 = arith.constant 0 : i32
        %dma_wait3A_130 = arith.constant 0 : i32
        %dma_wait3A_131 = tpu.memref_slice %arg8[%dma_wait3A, %dma_wait3A_129, %dma_wait3A_130] : memref<5x80x64xf32, #tpu.memory_space<vmem>> -> memref<1x80x64xf32, #tpu.memory_space<vmem>>
        %dma_wait3A_132 = tpu.memref_squeeze %dma_wait3A_131 : memref<1x80x64xf32, #tpu.memory_space<vmem>> -> memref<80x64xf32, #tpu.memory_space<vmem>>
        %dma_wait3A_133 = arith.constant 0 : i32
        %dma_wait3A_134 = tpu.memref_slice %arg6[%add3A_96, %dma_wait3A_133] : memref<125x80xi32, #tpu.memory_space<vmem>> -> memref<1x80xi32, #tpu.memory_space<vmem>>
        %dma_wait3A_135 = tpu.memref_squeeze %dma_wait3A_134 : memref<1x80xi32, #tpu.memory_space<vmem>> -> memref<80xi32, #tpu.memory_space<vmem>>
        %dma_wait3A_136 = arith.constant 0 : i32
        %dma_wait3A_137 = arith.constant 0 : i32
        %dma_wait3A_138 = tpu.memref_slice %arg2[%dma_wait3A_136, %dma_wait3A_137] : memref<20000x64xf32, #tpu.memory_space<hbm>> -> memref<20000x64xf32, #tpu.memory_space<hbm>>
        tpu.wait_indirect_dma semaphore(%arg11 : memref<!tpu.dma_semaphore, #tpu.memory_space<semaphore_mem>>) src(%dma_wait3A_138 : memref<20000x64xf32, #tpu.memory_space<hbm>>) dst(%dma_wait3A_132 : memref<80x64xf32, #tpu.memory_space<vmem>>)
        %run_scoped3A_139 = arith.constant 1 : i32
        "tpu.region"() ({
          %run_scoped3A_147 = tpu.sem_alloc : memref<!tpu.dma_semaphore, #tpu.memory_space<semaphore_mem>>
          %dma_start3A_148 = arith.constant 0 : i32
          %dma_start3A_149 = arith.constant 0 : i32
          %dma_start3A_150 = tpu.memref_slice %arg8[%run_scoped3A_139, %dma_start3A_148, %dma_start3A_149] : memref<5x80x64xf32, #tpu.memory_space<vmem>> -> memref<1x80x64xf32, #tpu.memory_space<vmem>>
          %dma_start3A_151 = tpu.memref_squeeze %dma_start3A_150 : memref<1x80x64xf32, #tpu.memory_space<vmem>> -> memref<80x64xf32, #tpu.memory_space<vmem>>
          %dma_start3A_152 = arith.constant 0 : i32
          %dma_start3A_153 = tpu.memref_slice %arg7[%add3A_96, %dma_start3A_152] : memref<125x80xi32, #tpu.memory_space<vmem>> -> memref<1x80xi32, #tpu.memory_space<vmem>>
          %dma_start3A_154 = tpu.memref_squeeze %dma_start3A_153 : memref<1x80xi32, #tpu.memory_space<vmem>> -> memref<80xi32, #tpu.memory_space<vmem>>
          %dma_start3A_155 = arith.constant 0 : i32
          %dma_start3A_156 = arith.constant 0 : i32
          %dma_start3A_157 = tpu.memref_slice %arg9[%dma_start3A_155, %dma_start3A_156] : memref<10000x64xf32, #tpu.memory_space<vmem_shared>> -> memref<10000x64xf32, #tpu.memory_space<vmem_shared>>
          tpu.enqueue_indirect_dma source(%dma_start3A_151 : memref<80x64xf32, #tpu.memory_space<vmem>>) target(%dma_start3A_157 : memref<10000x64xf32, #tpu.memory_space<vmem_shared>>) offsets(%dma_start3A_154 : memref<80xi32, #tpu.memory_space<vmem>>) semaphore(%run_scoped3A_147 : memref<!tpu.dma_semaphore, #tpu.memory_space<semaphore_mem>>) {add = true}
          %dma_wait3A_158 = arith.constant 0 : i32
          %dma_wait3A_159 = arith.constant 0 : i32
          %dma_wait3A_160 = tpu.memref_slice %arg8[%run_scoped3A_139, %dma_wait3A_158, %dma_wait3A_159] : memref<5x80x64xf32, #tpu.memory_space<vmem>> -> memref<1x80x64xf32, #tpu.memory_space<vmem>>
          %dma_wait3A_161 = tpu.memref_squeeze %dma_wait3A_160 : memref<1x80x64xf32, #tpu.memory_space<vmem>> -> memref<80x64xf32, #tpu.memory_space<vmem>>
          %dma_wait3A_162 = arith.constant 0 : i32
          %dma_wait3A_163 = tpu.memref_slice %arg7[%add3A_96, %dma_wait3A_162] : memref<125x80xi32, #tpu.memory_space<vmem>> -> memref<1x80xi32, #tpu.memory_space<vmem>>
          %dma_wait3A_164 = tpu.memref_squeeze %dma_wait3A_163 : memref<1x80xi32, #tpu.memory_space<vmem>> -> memref<80xi32, #tpu.memory_space<vmem>>
          %dma_wait3A_165 = arith.constant 0 : i32
          %dma_wait3A_166 = arith.constant 0 : i32
          %dma_wait3A_167 = tpu.memref_slice %arg9[%dma_wait3A_165, %dma_wait3A_166] : memref<10000x64xf32, #tpu.memory_space<vmem_shared>> -> memref<10000x64xf32, #tpu.memory_space<vmem_shared>>
          tpu.wait_indirect_dma semaphore(%run_scoped3A_147 : memref<!tpu.dma_semaphore, #tpu.memory_space<semaphore_mem>>) src(%dma_wait3A_161 : memref<80x64xf32, #tpu.memory_space<vmem>>) dst(%dma_wait3A_167 : memref<10000x64xf32, #tpu.memory_space<vmem_shared>>)
          tpu.yield
        }) : () -> ()
        %add3A_140 = arith.constant 5 : i32
        %add3A_141 = arith.addi %add3A_96, %add3A_140 : i32
        %lt3A_142 = arith.constant 125 : i32
        %lt3A_143 = arith.cmpi slt, %add3A_141, %lt3A_142 : i32
        %convert_element_type3A_144 = arith.extui %lt3A_143 : i1 to i32
        %cond3A_145 = arith.constant 0 : i32
        %cond3A_146 = arith.cmpi ne, %convert_element_type3A_144, %cond3A_145 : i32
        scf.if %cond3A_146 {
          %add3A_147 = arith.constant 5 : i32
          %add3A_148 = arith.addi %add3A_96, %add3A_147 : i32
          %dma_start3A_149 = arith.constant 1 : i32
          %dma_start3A_150 = arith.constant 0 : i32
          %dma_start3A_151 = arith.constant 0 : i32
          %dma_start3A_152 = tpu.memref_slice %arg8[%dma_start3A_149, %dma_start3A_150, %dma_start3A_151] : memref<5x80x64xf32, #tpu.memory_space<vmem>> -> memref<1x80x64xf32, #tpu.memory_space<vmem>>
          %dma_start3A_153 = tpu.memref_squeeze %dma_start3A_152 : memref<1x80x64xf32, #tpu.memory_space<vmem>> -> memref<80x64xf32, #tpu.memory_space<vmem>>
          %dma_start3A_154 = arith.constant 0 : i32
          %dma_start3A_155 = tpu.memref_slice %arg6[%add3A_148, %dma_start3A_154] : memref<125x80xi32, #tpu.memory_space<vmem>> -> memref<1x80xi32, #tpu.memory_space<vmem>>
          %dma_start3A_156 = tpu.memref_squeeze %dma_start3A_155 : memref<1x80xi32, #tpu.memory_space<vmem>> -> memref<80xi32, #tpu.memory_space<vmem>>
          %dma_start3A_157 = arith.constant 0 : i32
          %dma_start3A_158 = arith.constant 0 : i32
          %dma_start3A_159 = tpu.memref_slice %arg2[%dma_start3A_157, %dma_start3A_158] : memref<20000x64xf32, #tpu.memory_space<hbm>> -> memref<20000x64xf32, #tpu.memory_space<hbm>>
          tpu.enqueue_indirect_dma source(%dma_start3A_159 : memref<20000x64xf32, #tpu.memory_space<hbm>>) target(%dma_start3A_153 : memref<80x64xf32, #tpu.memory_space<vmem>>) offsets(%dma_start3A_156 : memref<80xi32, #tpu.memory_space<vmem>>) semaphore(%arg11 : memref<!tpu.dma_semaphore, #tpu.memory_space<semaphore_mem>>)
        } else {
        }
      } else {
      }
      %mul3A_102 = arith.constant 5 : i32
      %mul3A_103 = arith.muli %scan3A_84, %mul3A_102 : i32
      %add3A_104 = arith.constant 2 : i32
      %add3A_105 = arith.addi %mul3A_103, %add3A_104 : i32
      %lt3A_106 = arith.constant 125 : i32
      %lt3A_107 = arith.cmpi slt, %add3A_105, %lt3A_106 : i32
      %convert_element_type3A_108 = arith.extui %lt3A_107 : i1 to i32
      %cond3A_109 = arith.constant 0 : i32
      %cond3A_110 = arith.cmpi ne, %convert_element_type3A_108, %cond3A_109 : i32
      scf.if %cond3A_110 {
        %dma_wait3A = arith.constant 2 : i32
        %dma_wait3A_129 = arith.constant 0 : i32
        %dma_wait3A_130 = arith.constant 0 : i32
        %dma_wait3A_131 = tpu.memref_slice %arg8[%dma_wait3A, %dma_wait3A_129, %dma_wait3A_130] : memref<5x80x64xf32, #tpu.memory_space<vmem>> -> memref<1x80x64xf32, #tpu.memory_space<vmem>>
        %dma_wait3A_132 = tpu.memref_squeeze %dma_wait3A_131 : memref<1x80x64xf32, #tpu.memory_space<vmem>> -> memref<80x64xf32, #tpu.memory_space<vmem>>
        %dma_wait3A_133 = arith.constant 0 : i32
        %dma_wait3A_134 = tpu.memref_slice %arg6[%add3A_105, %dma_wait3A_133] : memref<125x80xi32, #tpu.memory_space<vmem>> -> memref<1x80xi32, #tpu.memory_space<vmem>>
        %dma_wait3A_135 = tpu.memref_squeeze %dma_wait3A_134 : memref<1x80xi32, #tpu.memory_space<vmem>> -> memref<80xi32, #tpu.memory_space<vmem>>
        %dma_wait3A_136 = arith.constant 0 : i32
        %dma_wait3A_137 = arith.constant 0 : i32
        %dma_wait3A_138 = tpu.memref_slice %arg2[%dma_wait3A_136, %dma_wait3A_137] : memref<20000x64xf32, #tpu.memory_space<hbm>> -> memref<20000x64xf32, #tpu.memory_space<hbm>>
        tpu.wait_indirect_dma semaphore(%arg12 : memref<!tpu.dma_semaphore, #tpu.memory_space<semaphore_mem>>) src(%dma_wait3A_138 : memref<20000x64xf32, #tpu.memory_space<hbm>>) dst(%dma_wait3A_132 : memref<80x64xf32, #tpu.memory_space<vmem>>)
        %run_scoped3A_139 = arith.constant 2 : i32
        "tpu.region"() ({
          %run_scoped3A_147 = tpu.sem_alloc : memref<!tpu.dma_semaphore, #tpu.memory_space<semaphore_mem>>
          %dma_start3A_148 = arith.constant 0 : i32
          %dma_start3A_149 = arith.constant 0 : i32
          %dma_start3A_150 = tpu.memref_slice %arg8[%run_scoped3A_139, %dma_start3A_148, %dma_start3A_149] : memref<5x80x64xf32, #tpu.memory_space<vmem>> -> memref<1x80x64xf32, #tpu.memory_space<vmem>>
          %dma_start3A_151 = tpu.memref_squeeze %dma_start3A_150 : memref<1x80x64xf32, #tpu.memory_space<vmem>> -> memref<80x64xf32, #tpu.memory_space<vmem>>
          %dma_start3A_152 = arith.constant 0 : i32
          %dma_start3A_153 = tpu.memref_slice %arg7[%add3A_105, %dma_start3A_152] : memref<125x80xi32, #tpu.memory_space<vmem>> -> memref<1x80xi32, #tpu.memory_space<vmem>>
          %dma_start3A_154 = tpu.memref_squeeze %dma_start3A_153 : memref<1x80xi32, #tpu.memory_space<vmem>> -> memref<80xi32, #tpu.memory_space<vmem>>
          %dma_start3A_155 = arith.constant 0 : i32
          %dma_start3A_156 = arith.constant 0 : i32
          %dma_start3A_157 = tpu.memref_slice %arg9[%dma_start3A_155, %dma_start3A_156] : memref<10000x64xf32, #tpu.memory_space<vmem_shared>> -> memref<10000x64xf32, #tpu.memory_space<vmem_shared>>
          tpu.enqueue_indirect_dma source(%dma_start3A_151 : memref<80x64xf32, #tpu.memory_space<vmem>>) target(%dma_start3A_157 : memref<10000x64xf32, #tpu.memory_space<vmem_shared>>) offsets(%dma_start3A_154 : memref<80xi32, #tpu.memory_space<vmem>>) semaphore(%run_scoped3A_147 : memref<!tpu.dma_semaphore, #tpu.memory_space<semaphore_mem>>) {add = true}
          %dma_wait3A_158 = arith.constant 0 : i32
          %dma_wait3A_159 = arith.constant 0 : i32
          %dma_wait3A_160 = tpu.memref_slice %arg8[%run_scoped3A_139, %dma_wait3A_158, %dma_wait3A_159] : memref<5x80x64xf32, #tpu.memory_space<vmem>> -> memref<1x80x64xf32, #tpu.memory_space<vmem>>
          %dma_wait3A_161 = tpu.memref_squeeze %dma_wait3A_160 : memref<1x80x64xf32, #tpu.memory_space<vmem>> -> memref<80x64xf32, #tpu.memory_space<vmem>>
          %dma_wait3A_162 = arith.constant 0 : i32
          %dma_wait3A_163 = tpu.memref_slice %arg7[%add3A_105, %dma_wait3A_162] : memref<125x80xi32, #tpu.memory_space<vmem>> -> memref<1x80xi32, #tpu.memory_space<vmem>>
          %dma_wait3A_164 = tpu.memref_squeeze %dma_wait3A_163 : memref<1x80xi32, #tpu.memory_space<vmem>> -> memref<80xi32, #tpu.memory_space<vmem>>
          %dma_wait3A_165 = arith.constant 0 : i32
          %dma_wait3A_166 = arith.constant 0 : i32
          %dma_wait3A_167 = tpu.memref_slice %arg9[%dma_wait3A_165, %dma_wait3A_166] : memref<10000x64xf32, #tpu.memory_space<vmem_shared>> -> memref<10000x64xf32, #tpu.memory_space<vmem_shared>>
          tpu.wait_indirect_dma semaphore(%run_scoped3A_147 : memref<!tpu.dma_semaphore, #tpu.memory_space<semaphore_mem>>) src(%dma_wait3A_161 : memref<80x64xf32, #tpu.memory_space<vmem>>) dst(%dma_wait3A_167 : memref<10000x64xf32, #tpu.memory_space<vmem_shared>>)
          tpu.yield
        }) : () -> ()
        %add3A_140 = arith.constant 5 : i32
        %add3A_141 = arith.addi %add3A_105, %add3A_140 : i32
        %lt3A_142 = arith.constant 125 : i32
        %lt3A_143 = arith.cmpi slt, %add3A_141, %lt3A_142 : i32
        %convert_element_type3A_144 = arith.extui %lt3A_143 : i1 to i32
        %cond3A_145 = arith.constant 0 : i32
        %cond3A_146 = arith.cmpi ne, %convert_element_type3A_144, %cond3A_145 : i32
        scf.if %cond3A_146 {
          %add3A_147 = arith.constant 5 : i32
          %add3A_148 = arith.addi %add3A_105, %add3A_147 : i32
          %dma_start3A_149 = arith.constant 2 : i32
          %dma_start3A_150 = arith.constant 0 : i32
          %dma_start3A_151 = arith.constant 0 : i32
          %dma_start3A_152 = tpu.memref_slice %arg8[%dma_start3A_149, %dma_start3A_150, %dma_start3A_151] : memref<5x80x64xf32, #tpu.memory_space<vmem>> -> memref<1x80x64xf32, #tpu.memory_space<vmem>>
          %dma_start3A_153 = tpu.memref_squeeze %dma_start3A_152 : memref<1x80x64xf32, #tpu.memory_space<vmem>> -> memref<80x64xf32, #tpu.memory_space<vmem>>
          %dma_start3A_154 = arith.constant 0 : i32
          %dma_start3A_155 = tpu.memref_slice %arg6[%add3A_148, %dma_start3A_154] : memref<125x80xi32, #tpu.memory_space<vmem>> -> memref<1x80xi32, #tpu.memory_space<vmem>>
          %dma_start3A_156 = tpu.memref_squeeze %dma_start3A_155 : memref<1x80xi32, #tpu.memory_space<vmem>> -> memref<80xi32, #tpu.memory_space<vmem>>
          %dma_start3A_157 = arith.constant 0 : i32
          %dma_start3A_158 = arith.constant 0 : i32
          %dma_start3A_159 = tpu.memref_slice %arg2[%dma_start3A_157, %dma_start3A_158] : memref<20000x64xf32, #tpu.memory_space<hbm>> -> memref<20000x64xf32, #tpu.memory_space<hbm>>
          tpu.enqueue_indirect_dma source(%dma_start3A_159 : memref<20000x64xf32, #tpu.memory_space<hbm>>) target(%dma_start3A_153 : memref<80x64xf32, #tpu.memory_space<vmem>>) offsets(%dma_start3A_156 : memref<80xi32, #tpu.memory_space<vmem>>) semaphore(%arg12 : memref<!tpu.dma_semaphore, #tpu.memory_space<semaphore_mem>>)
        } else {
        }
      } else {
      }
      %mul3A_111 = arith.constant 5 : i32
      %mul3A_112 = arith.muli %scan3A_84, %mul3A_111 : i32
      %add3A_113 = arith.constant 3 : i32
      %add3A_114 = arith.addi %mul3A_112, %add3A_113 : i32
      %lt3A_115 = arith.constant 125 : i32
      %lt3A_116 = arith.cmpi slt, %add3A_114, %lt3A_115 : i32
      %convert_element_type3A_117 = arith.extui %lt3A_116 : i1 to i32
      %cond3A_118 = arith.constant 0 : i32
      %cond3A_119 = arith.cmpi ne, %convert_element_type3A_117, %cond3A_118 : i32
      scf.if %cond3A_119 {
        %dma_wait3A = arith.constant 3 : i32
        %dma_wait3A_129 = arith.constant 0 : i32
        %dma_wait3A_130 = arith.constant 0 : i32
        %dma_wait3A_131 = tpu.memref_slice %arg8[%dma_wait3A, %dma_wait3A_129, %dma_wait3A_130] : memref<5x80x64xf32, #tpu.memory_space<vmem>> -> memref<1x80x64xf32, #tpu.memory_space<vmem>>
        %dma_wait3A_132 = tpu.memref_squeeze %dma_wait3A_131 : memref<1x80x64xf32, #tpu.memory_space<vmem>> -> memref<80x64xf32, #tpu.memory_space<vmem>>
        %dma_wait3A_133 = arith.constant 0 : i32
        %dma_wait3A_134 = tpu.memref_slice %arg6[%add3A_114, %dma_wait3A_133] : memref<125x80xi32, #tpu.memory_space<vmem>> -> memref<1x80xi32, #tpu.memory_space<vmem>>
        %dma_wait3A_135 = tpu.memref_squeeze %dma_wait3A_134 : memref<1x80xi32, #tpu.memory_space<vmem>> -> memref<80xi32, #tpu.memory_space<vmem>>
        %dma_wait3A_136 = arith.constant 0 : i32
        %dma_wait3A_137 = arith.constant 0 : i32
        %dma_wait3A_138 = tpu.memref_slice %arg2[%dma_wait3A_136, %dma_wait3A_137] : memref<20000x64xf32, #tpu.memory_space<hbm>> -> memref<20000x64xf32, #tpu.memory_space<hbm>>
        tpu.wait_indirect_dma semaphore(%arg13 : memref<!tpu.dma_semaphore, #tpu.memory_space<semaphore_mem>>) src(%dma_wait3A_138 : memref<20000x64xf32, #tpu.memory_space<hbm>>) dst(%dma_wait3A_132 : memref<80x64xf32, #tpu.memory_space<vmem>>)
        %run_scoped3A_139 = arith.constant 3 : i32
        "tpu.region"() ({
          %run_scoped3A_147 = tpu.sem_alloc : memref<!tpu.dma_semaphore, #tpu.memory_space<semaphore_mem>>
          %dma_start3A_148 = arith.constant 0 : i32
          %dma_start3A_149 = arith.constant 0 : i32
          %dma_start3A_150 = tpu.memref_slice %arg8[%run_scoped3A_139, %dma_start3A_148, %dma_start3A_149] : memref<5x80x64xf32, #tpu.memory_space<vmem>> -> memref<1x80x64xf32, #tpu.memory_space<vmem>>
          %dma_start3A_151 = tpu.memref_squeeze %dma_start3A_150 : memref<1x80x64xf32, #tpu.memory_space<vmem>> -> memref<80x64xf32, #tpu.memory_space<vmem>>
          %dma_start3A_152 = arith.constant 0 : i32
          %dma_start3A_153 = tpu.memref_slice %arg7[%add3A_114, %dma_start3A_152] : memref<125x80xi32, #tpu.memory_space<vmem>> -> memref<1x80xi32, #tpu.memory_space<vmem>>
          %dma_start3A_154 = tpu.memref_squeeze %dma_start3A_153 : memref<1x80xi32, #tpu.memory_space<vmem>> -> memref<80xi32, #tpu.memory_space<vmem>>
          %dma_start3A_155 = arith.constant 0 : i32
          %dma_start3A_156 = arith.constant 0 : i32
          %dma_start3A_157 = tpu.memref_slice %arg9[%dma_start3A_155, %dma_start3A_156] : memref<10000x64xf32, #tpu.memory_space<vmem_shared>> -> memref<10000x64xf32, #tpu.memory_space<vmem_shared>>
          tpu.enqueue_indirect_dma source(%dma_start3A_151 : memref<80x64xf32, #tpu.memory_space<vmem>>) target(%dma_start3A_157 : memref<10000x64xf32, #tpu.memory_space<vmem_shared>>) offsets(%dma_start3A_154 : memref<80xi32, #tpu.memory_space<vmem>>) semaphore(%run_scoped3A_147 : memref<!tpu.dma_semaphore, #tpu.memory_space<semaphore_mem>>) {add = true}
          %dma_wait3A_158 = arith.constant 0 : i32
          %dma_wait3A_159 = arith.constant 0 : i32
          %dma_wait3A_160 = tpu.memref_slice %arg8[%run_scoped3A_139, %dma_wait3A_158, %dma_wait3A_159] : memref<5x80x64xf32, #tpu.memory_space<vmem>> -> memref<1x80x64xf32, #tpu.memory_space<vmem>>
          %dma_wait3A_161 = tpu.memref_squeeze %dma_wait3A_160 : memref<1x80x64xf32, #tpu.memory_space<vmem>> -> memref<80x64xf32, #tpu.memory_space<vmem>>
          %dma_wait3A_162 = arith.constant 0 : i32
          %dma_wait3A_163 = tpu.memref_slice %arg7[%add3A_114, %dma_wait3A_162] : memref<125x80xi32, #tpu.memory_space<vmem>> -> memref<1x80xi32, #tpu.memory_space<vmem>>
          %dma_wait3A_164 = tpu.memref_squeeze %dma_wait3A_163 : memref<1x80xi32, #tpu.memory_space<vmem>> -> memref<80xi32, #tpu.memory_space<vmem>>
          %dma_wait3A_165 = arith.constant 0 : i32
          %dma_wait3A_166 = arith.constant 0 : i32
          %dma_wait3A_167 = tpu.memref_slice %arg9[%dma_wait3A_165, %dma_wait3A_166] : memref<10000x64xf32, #tpu.memory_space<vmem_shared>> -> memref<10000x64xf32, #tpu.memory_space<vmem_shared>>
          tpu.wait_indirect_dma semaphore(%run_scoped3A_147 : memref<!tpu.dma_semaphore, #tpu.memory_space<semaphore_mem>>) src(%dma_wait3A_161 : memref<80x64xf32, #tpu.memory_space<vmem>>) dst(%dma_wait3A_167 : memref<10000x64xf32, #tpu.memory_space<vmem_shared>>)
          tpu.yield
        }) : () -> ()
        %add3A_140 = arith.constant 5 : i32
        %add3A_141 = arith.addi %add3A_114, %add3A_140 : i32
        %lt3A_142 = arith.constant 125 : i32
        %lt3A_143 = arith.cmpi slt, %add3A_141, %lt3A_142 : i32
        %convert_element_type3A_144 = arith.extui %lt3A_143 : i1 to i32
        %cond3A_145 = arith.constant 0 : i32
        %cond3A_146 = arith.cmpi ne, %convert_element_type3A_144, %cond3A_145 : i32
        scf.if %cond3A_146 {
          %add3A_147 = arith.constant 5 : i32
          %add3A_148 = arith.addi %add3A_114, %add3A_147 : i32
          %dma_start3A_149 = arith.constant 3 : i32
          %dma_start3A_150 = arith.constant 0 : i32
          %dma_start3A_151 = arith.constant 0 : i32
          %dma_start3A_152 = tpu.memref_slice %arg8[%dma_start3A_149, %dma_start3A_150, %dma_start3A_151] : memref<5x80x64xf32, #tpu.memory_space<vmem>> -> memref<1x80x64xf32, #tpu.memory_space<vmem>>
          %dma_start3A_153 = tpu.memref_squeeze %dma_start3A_152 : memref<1x80x64xf32, #tpu.memory_space<vmem>> -> memref<80x64xf32, #tpu.memory_space<vmem>>
          %dma_start3A_154 = arith.constant 0 : i32
          %dma_start3A_155 = tpu.memref_slice %arg6[%add3A_148, %dma_start3A_154] : memref<125x80xi32, #tpu.memory_space<vmem>> -> memref<1x80xi32, #tpu.memory_space<vmem>>
          %dma_start3A_156 = tpu.memref_squeeze %dma_start3A_155 : memref<1x80xi32, #tpu.memory_space<vmem>> -> memref<80xi32, #tpu.memory_space<vmem>>
          %dma_start3A_157 = arith.constant 0 : i32
          %dma_start3A_158 = arith.constant 0 : i32
          %dma_start3A_159 = tpu.memref_slice %arg2[%dma_start3A_157, %dma_start3A_158] : memref<20000x64xf32, #tpu.memory_space<hbm>> -> memref<20000x64xf32, #tpu.memory_space<hbm>>
          tpu.enqueue_indirect_dma source(%dma_start3A_159 : memref<20000x64xf32, #tpu.memory_space<hbm>>) target(%dma_start3A_153 : memref<80x64xf32, #tpu.memory_space<vmem>>) offsets(%dma_start3A_156 : memref<80xi32, #tpu.memory_space<vmem>>) semaphore(%arg13 : memref<!tpu.dma_semaphore, #tpu.memory_space<semaphore_mem>>)
        } else {
        }
      } else {
      }
      %mul3A_120 = arith.constant 5 : i32
      %mul3A_121 = arith.muli %scan3A_84, %mul3A_120 : i32
      %add3A_122 = arith.constant 4 : i32
      %add3A_123 = arith.addi %mul3A_121, %add3A_122 : i32
      %lt3A_124 = arith.constant 125 : i32
      %lt3A_125 = arith.cmpi slt, %add3A_123, %lt3A_124 : i32
      %convert_element_type3A_126 = arith.extui %lt3A_125 : i1 to i32
      %cond3A_127 = arith.constant 0 : i32
      %cond3A_128 = arith.cmpi ne, %convert_element_type3A_126, %cond3A_127 : i32
      scf.if %cond3A_128 {
        %dma_wait3A = arith.constant 4 : i32
        %dma_wait3A_129 = arith.constant 0 : i32
        %dma_wait3A_130 = arith.constant 0 : i32
        %dma_wait3A_131 = tpu.memref_slice %arg8[%dma_wait3A, %dma_wait3A_129, %dma_wait3A_130] : memref<5x80x64xf32, #tpu.memory_space<vmem>> -> memref<1x80x64xf32, #tpu.memory_space<vmem>>
        %dma_wait3A_132 = tpu.memref_squeeze %dma_wait3A_131 : memref<1x80x64xf32, #tpu.memory_space<vmem>> -> memref<80x64xf32, #tpu.memory_space<vmem>>
        %dma_wait3A_133 = arith.constant 0 : i32
        %dma_wait3A_134 = tpu.memref_slice %arg6[%add3A_123, %dma_wait3A_133] : memref<125x80xi32, #tpu.memory_space<vmem>> -> memref<1x80xi32, #tpu.memory_space<vmem>>
        %dma_wait3A_135 = tpu.memref_squeeze %dma_wait3A_134 : memref<1x80xi32, #tpu.memory_space<vmem>> -> memref<80xi32, #tpu.memory_space<vmem>>
        %dma_wait3A_136 = arith.constant 0 : i32
        %dma_wait3A_137 = arith.constant 0 : i32
        %dma_wait3A_138 = tpu.memref_slice %arg2[%dma_wait3A_136, %dma_wait3A_137] : memref<20000x64xf32, #tpu.memory_space<hbm>> -> memref<20000x64xf32, #tpu.memory_space<hbm>>
        tpu.wait_indirect_dma semaphore(%arg14 : memref<!tpu.dma_semaphore, #tpu.memory_space<semaphore_mem>>) src(%dma_wait3A_138 : memref<20000x64xf32, #tpu.memory_space<hbm>>) dst(%dma_wait3A_132 : memref<80x64xf32, #tpu.memory_space<vmem>>)
        %run_scoped3A_139 = arith.constant 4 : i32
        "tpu.region"() ({
          %run_scoped3A_147 = tpu.sem_alloc : memref<!tpu.dma_semaphore, #tpu.memory_space<semaphore_mem>>
          %dma_start3A_148 = arith.constant 0 : i32
          %dma_start3A_149 = arith.constant 0 : i32
          %dma_start3A_150 = tpu.memref_slice %arg8[%run_scoped3A_139, %dma_start3A_148, %dma_start3A_149] : memref<5x80x64xf32, #tpu.memory_space<vmem>> -> memref<1x80x64xf32, #tpu.memory_space<vmem>>
          %dma_start3A_151 = tpu.memref_squeeze %dma_start3A_150 : memref<1x80x64xf32, #tpu.memory_space<vmem>> -> memref<80x64xf32, #tpu.memory_space<vmem>>
          %dma_start3A_152 = arith.constant 0 : i32
          %dma_start3A_153 = tpu.memref_slice %arg7[%add3A_123, %dma_start3A_152] : memref<125x80xi32, #tpu.memory_space<vmem>> -> memref<1x80xi32, #tpu.memory_space<vmem>>
          %dma_start3A_154 = tpu.memref_squeeze %dma_start3A_153 : memref<1x80xi32, #tpu.memory_space<vmem>> -> memref<80xi32, #tpu.memory_space<vmem>>
          %dma_start3A_155 = arith.constant 0 : i32
          %dma_start3A_156 = arith.constant 0 : i32
          %dma_start3A_157 = tpu.memref_slice %arg9[%dma_start3A_155, %dma_start3A_156] : memref<10000x64xf32, #tpu.memory_space<vmem_shared>> -> memref<10000x64xf32, #tpu.memory_space<vmem_shared>>
          tpu.enqueue_indirect_dma source(%dma_start3A_151 : memref<80x64xf32, #tpu.memory_space<vmem>>) target(%dma_start3A_157 : memref<10000x64xf32, #tpu.memory_space<vmem_shared>>) offsets(%dma_start3A_154 : memref<80xi32, #tpu.memory_space<vmem>>) semaphore(%run_scoped3A_147 : memref<!tpu.dma_semaphore, #tpu.memory_space<semaphore_mem>>) {add = true}
          %dma_wait3A_158 = arith.constant 0 : i32
          %dma_wait3A_159 = arith.constant 0 : i32
          %dma_wait3A_160 = tpu.memref_slice %arg8[%run_scoped3A_139, %dma_wait3A_158, %dma_wait3A_159] : memref<5x80x64xf32, #tpu.memory_space<vmem>> -> memref<1x80x64xf32, #tpu.memory_space<vmem>>
          %dma_wait3A_161 = tpu.memref_squeeze %dma_wait3A_160 : memref<1x80x64xf32, #tpu.memory_space<vmem>> -> memref<80x64xf32, #tpu.memory_space<vmem>>
          %dma_wait3A_162 = arith.constant 0 : i32
          %dma_wait3A_163 = tpu.memref_slice %arg7[%add3A_123, %dma_wait3A_162] : memref<125x80xi32, #tpu.memory_space<vmem>> -> memref<1x80xi32, #tpu.memory_space<vmem>>
          %dma_wait3A_164 = tpu.memref_squeeze %dma_wait3A_163 : memref<1x80xi32, #tpu.memory_space<vmem>> -> memref<80xi32, #tpu.memory_space<vmem>>
          %dma_wait3A_165 = arith.constant 0 : i32
          %dma_wait3A_166 = arith.constant 0 : i32
          %dma_wait3A_167 = tpu.memref_slice %arg9[%dma_wait3A_165, %dma_wait3A_166] : memref<10000x64xf32, #tpu.memory_space<vmem_shared>> -> memref<10000x64xf32, #tpu.memory_space<vmem_shared>>
          tpu.wait_indirect_dma semaphore(%run_scoped3A_147 : memref<!tpu.dma_semaphore, #tpu.memory_space<semaphore_mem>>) src(%dma_wait3A_161 : memref<80x64xf32, #tpu.memory_space<vmem>>) dst(%dma_wait3A_167 : memref<10000x64xf32, #tpu.memory_space<vmem_shared>>)
          tpu.yield
        }) : () -> ()
        %add3A_140 = arith.constant 5 : i32
        %add3A_141 = arith.addi %add3A_123, %add3A_140 : i32
        %lt3A_142 = arith.constant 125 : i32
        %lt3A_143 = arith.cmpi slt, %add3A_141, %lt3A_142 : i32
        %convert_element_type3A_144 = arith.extui %lt3A_143 : i1 to i32
        %cond3A_145 = arith.constant 0 : i32
        %cond3A_146 = arith.cmpi ne, %convert_element_type3A_144, %cond3A_145 : i32
        scf.if %cond3A_146 {
          %add3A_147 = arith.constant 5 : i32
          %add3A_148 = arith.addi %add3A_123, %add3A_147 : i32
          %dma_start3A_149 = arith.constant 4 : i32
          %dma_start3A_150 = arith.constant 0 : i32
          %dma_start3A_151 = arith.constant 0 : i32
          %dma_start3A_152 = tpu.memref_slice %arg8[%dma_start3A_149, %dma_start3A_150, %dma_start3A_151] : memref<5x80x64xf32, #tpu.memory_space<vmem>> -> memref<1x80x64xf32, #tpu.memory_space<vmem>>
          %dma_start3A_153 = tpu.memref_squeeze %dma_start3A_152 : memref<1x80x64xf32, #tpu.memory_space<vmem>> -> memref<80x64xf32, #tpu.memory_space<vmem>>
          %dma_start3A_154 = arith.constant 0 : i32
          %dma_start3A_155 = tpu.memref_slice %arg6[%add3A_148, %dma_start3A_154] : memref<125x80xi32, #tpu.memory_space<vmem>> -> memref<1x80xi32, #tpu.memory_space<vmem>>
          %dma_start3A_156 = tpu.memref_squeeze %dma_start3A_155 : memref<1x80xi32, #tpu.memory_space<vmem>> -> memref<80xi32, #tpu.memory_space<vmem>>
          %dma_start3A_157 = arith.constant 0 : i32
          %dma_start3A_158 = arith.constant 0 : i32
          %dma_start3A_159 = tpu.memref_slice %arg2[%dma_start3A_157, %dma_start3A_158] : memref<20000x64xf32, #tpu.memory_space<hbm>> -> memref<20000x64xf32, #tpu.memory_space<hbm>>
          tpu.enqueue_indirect_dma source(%dma_start3A_159 : memref<20000x64xf32, #tpu.memory_space<hbm>>) target(%dma_start3A_153 : memref<80x64xf32, #tpu.memory_space<vmem>>) offsets(%dma_start3A_156 : memref<80xi32, #tpu.memory_space<vmem>>) semaphore(%arg14 : memref<!tpu.dma_semaphore, #tpu.memory_space<semaphore_mem>>)
        } else {
        }
      } else {
      }
    }
    %scan3A_71 = arith.constant 25 : i32
    %barrier3A_72 = arith.constant 0 : index
    tpu.barrier barrier_id(%barrier3A_72)
    %mul3A_73 = arith.constant 624 : i32
    %mul3A_74 = arith.muli %arg1, %mul3A_73 : i32
    %mul3A_75 = arith.constant 624 : i32
    %mul3A_76 = arith.muli %arg1, %mul3A_75 : i32
    %mul3A_77 = arith.constant 64 : i32
    %mul3A_78 = arith.muli %arg0, %mul3A_77 : i32
    "tpu.region"() ({
      %run_scoped3A_84 = tpu.sem_alloc : memref<!tpu.dma_semaphore, #tpu.memory_space<semaphore_mem>>
      %dma_start3A_85 = tpu.memref_slice %arg5[%mul3A_76, %mul3A_78] : memref<10000x128xf32, #tpu.memory_space<hbm>> -> memref<624x64xf32, #tpu.memory_space<hbm>>
      %dma_start3A_86 = arith.constant 0 : i32
      %dma_start3A_87 = tpu.memref_slice %arg9[%mul3A_74, %dma_start3A_86] : memref<10000x64xf32, #tpu.memory_space<vmem_shared>> -> memref<624x64xf32, #tpu.memory_space<vmem_shared>>
      tpu.enqueue_dma source(%dma_start3A_87 : memref<624x64xf32, #tpu.memory_space<vmem_shared>>) target(%dma_start3A_85 : memref<624x64xf32, #tpu.memory_space<hbm>>) target_semaphore(%run_scoped3A_84 : memref<!tpu.dma_semaphore, #tpu.memory_space<semaphore_mem>>)
      %dma_wait3A = tpu.memref_slice %arg5[%mul3A_76, %mul3A_78] : memref<10000x128xf32, #tpu.memory_space<hbm>> -> memref<624x64xf32, #tpu.memory_space<hbm>>
      %dma_wait3A_88 = arith.constant 0 : i32
      %dma_wait3A_89 = tpu.memref_slice %arg9[%mul3A_74, %dma_wait3A_88] : memref<10000x64xf32, #tpu.memory_space<vmem_shared>> -> memref<624x64xf32, #tpu.memory_space<vmem_shared>>
      tpu.wait_dma2 semaphore(%run_scoped3A_84 : memref<!tpu.dma_semaphore, #tpu.memory_space<semaphore_mem>>) src(%dma_wait3A_89 : memref<624x64xf32, #tpu.memory_space<vmem_shared>>) dst(%dma_wait3A : memref<624x64xf32, #tpu.memory_space<hbm>>)
      tpu.yield
    }) : () -> ()
    %eq3A_79 = arith.constant 15 : i32
    %eq3A_80 = arith.cmpi eq, %arg1, %eq3A_79 : i32
    %convert_element_type3A_81 = arith.extui %eq3A_80 : i1 to i32
    %cond3A_82 = arith.constant 0 : i32
    %cond3A_83 = arith.cmpi ne, %convert_element_type3A_81, %cond3A_82 : i32
    scf.if %cond3A_83 {
      %mul3A_84 = arith.constant 64 : i32
      %mul3A_85 = arith.muli %arg0, %mul3A_84 : i32
      "tpu.region"() ({
        %run_scoped3A_86 = tpu.sem_alloc : memref<!tpu.dma_semaphore, #tpu.memory_space<semaphore_mem>>
        %dma_start3A_87 = arith.constant 9984 : i32
        %dma_start3A_88 = tpu.memref_slice %arg5[%dma_start3A_87, %mul3A_85] : memref<10000x128xf32, #tpu.memory_space<hbm>> -> memref<16x64xf32, #tpu.memory_space<hbm>>
        %dma_start3A_89 = arith.constant 9984 : i32
        %dma_start3A_90 = arith.constant 0 : i32
        %dma_start3A_91 = tpu.memref_slice %arg9[%dma_start3A_89, %dma_start3A_90] : memref<10000x64xf32, #tpu.memory_space<vmem_shared>> -> memref<16x64xf32, #tpu.memory_space<vmem_shared>>
        tpu.enqueue_dma source(%dma_start3A_91 : memref<16x64xf32, #tpu.memory_space<vmem_shared>>) target(%dma_start3A_88 : memref<16x64xf32, #tpu.memory_space<hbm>>) target_semaphore(%run_scoped3A_86 : memref<!tpu.dma_semaphore, #tpu.memory_space<semaphore_mem>>)
        %dma_wait3A = arith.constant 9984 : i32
        %dma_wait3A_92 = tpu.memref_slice %arg5[%dma_wait3A, %mul3A_85] : memref<10000x128xf32, #tpu.memory_space<hbm>> -> memref<16x64xf32, #tpu.memory_space<hbm>>
        %dma_wait3A_93 = arith.constant 9984 : i32
        %dma_wait3A_94 = arith.constant 0 : i32
        %dma_wait3A_95 = tpu.memref_slice %arg9[%dma_wait3A_93, %dma_wait3A_94] : memref<10000x64xf32, #tpu.memory_space<vmem_shared>> -> memref<16x64xf32, #tpu.memory_space<vmem_shared>>
        tpu.wait_dma2 semaphore(%run_scoped3A_86 : memref<!tpu.dma_semaphore, #tpu.memory_space<semaphore_mem>>) src(%dma_wait3A_95 : memref<16x64xf32, #tpu.memory_space<vmem_shared>>) dst(%dma_wait3A_92 : memref<16x64xf32, #tpu.memory_space<hbm>>)
        tpu.yield
      }) : () -> ()
    } else {
    }
    return
  }
}

#map = affine_map<(d0, d1) -> (0, 0)>
#map1 = affine_map<(d0, d1) -> (0, 0, 0, 0)>
module attributes {stable_mosaic.version = 14 : i64} {
  func.func @k(%arg0: i32, %arg1: i32, %arg2: memref<20000x64xf32, #tpu.memory_space<hbm>>, %arg3: memref<2x32x125x80xi32, #tpu.memory_space<hbm>>, %arg4: memref<10000x64xf32, #tpu.memory_space<hbm>>, %arg5: memref<10000x128xf32, #tpu.memory_space<hbm>>, %arg6: memref<125x80xi32, #tpu.memory_space<vmem>>, %arg7: memref<125x80xi32, #tpu.memory_space<vmem>>, %arg8: memref<5x80x64xf32, #tpu.memory_space<vmem>>, %arg9: memref<10000x64xf32, #tpu.memory_space<vmem_shared>>, %arg10: memref<!tpu.dma_semaphore, #tpu.memory_space<semaphore_mem>>, %arg11: memref<!tpu.dma_semaphore, #tpu.memory_space<semaphore_mem>>, %arg12: memref<!tpu.dma_semaphore, #tpu.memory_space<semaphore_mem>>, %arg13: memref<!tpu.dma_semaphore, #tpu.memory_space<semaphore_mem>>, %arg14: memref<!tpu.dma_semaphore, #tpu.memory_space<semaphore_mem>>) attributes {dimension_semantics = [#tpu.dimension_semantics<core_parallel>, #tpu.dimension_semantics<subcore_parallel>], iteration_bounds = array<i64: 2, 16>, scalar_prefetch = 0 : i64, scratch_operands = 9 : i64, tpu.core_type = #tpu.core_type<sc_vector_subcore>, window_params = [{transform_indices = #map}, {transform_indices = #map1}, {transform_indices = #map}, {transform_indices = #map}]} {
    %mul3A = arith.constant 16 : i32
    %mul3A_0 = arith.muli %arg0, %mul3A : i32
    %add3A = arith.addi %mul3A_0, %arg1 : i32
    %mul3A_1 = arith.constant 624 : i32
    %mul3A_2 = arith.muli %arg1, %mul3A_1 : i32
    %mul3A_3 = arith.constant 624 : i32
    %mul3A_4 = arith.muli %arg1, %mul3A_3 : i32
    "tpu.region"() ({
      %run_scoped3A_84 = tpu.sem_alloc : memref<!tpu.dma_semaphore, #tpu.memory_space<semaphore_mem>>
      %dma_start3A_85 = arith.constant 0 : i32
      %dma_start3A_86 = tpu.memref_slice %arg9[%mul3A_4, %dma_start3A_85] : memref<10000x64xf32, #tpu.memory_space<vmem_shared>> -> memref<624x64xf32, #tpu.memory_space<vmem_shared>>
      %dma_start3A_87 = arith.constant 0 : i32
      %dma_start3A_88 = tpu.memref_slice %arg4[%mul3A_2, %dma_start3A_87] : memref<10000x64xf32, #tpu.memory_space<hbm>> -> memref<624x64xf32, #tpu.memory_space<hbm>>
      tpu.enqueue_dma source(%dma_start3A_88 : memref<624x64xf32, #tpu.memory_space<hbm>>) target(%dma_start3A_86 : memref<624x64xf32, #tpu.memory_space<vmem_shared>>) target_semaphore(%run_scoped3A_84 : memref<!tpu.dma_semaphore, #tpu.memory_space<semaphore_mem>>)
      %dma_wait3A = arith.constant 0 : i32
      %dma_wait3A_89 = tpu.memref_slice %arg9[%mul3A_4, %dma_wait3A] : memref<10000x64xf32, #tpu.memory_space<vmem_shared>> -> memref<624x64xf32, #tpu.memory_space<vmem_shared>>
      %dma_wait3A_90 = arith.constant 0 : i32
      %dma_wait3A_91 = tpu.memref_slice %arg4[%mul3A_2, %dma_wait3A_90] : memref<10000x64xf32, #tpu.memory_space<hbm>> -> memref<624x64xf32, #tpu.memory_space<hbm>>
      tpu.wait_dma2 semaphore(%run_scoped3A_84 : memref<!tpu.dma_semaphore, #tpu.memory_space<semaphore_mem>>) src(%dma_wait3A_91 : memref<624x64xf32, #tpu.memory_space<hbm>>) dst(%dma_wait3A_89 : memref<624x64xf32, #tpu.memory_space<vmem_shared>>)
      tpu.yield
    }) : () -> ()
    %eq3A = arith.constant 15 : i32
    %eq3A_5 = arith.cmpi eq, %arg1, %eq3A : i32
    %convert_element_type3A = arith.extui %eq3A_5 : i1 to i32
    %cond3A = arith.constant 0 : i32
    %cond3A_6 = arith.cmpi ne, %convert_element_type3A, %cond3A : i32
    scf.if %cond3A_6 {
      "tpu.region"() ({
        %run_scoped3A_84 = tpu.sem_alloc : memref<!tpu.dma_semaphore, #tpu.memory_space<semaphore_mem>>
        %dma_start3A_85 = arith.constant 9984 : i32
        %dma_start3A_86 = arith.constant 0 : i32
        %dma_start3A_87 = tpu.memref_slice %arg9[%dma_start3A_85, %dma_start3A_86] : memref<10000x64xf32, #tpu.memory_space<vmem_shared>> -> memref<16x64xf32, #tpu.memory_space<vmem_shared>>
        %dma_start3A_88 = arith.constant 9984 : i32
        %dma_start3A_89 = arith.constant 0 : i32
        %dma_start3A_90 = tpu.memref_slice %arg4[%dma_start3A_88, %dma_start3A_89] : memref<10000x64xf32, #tpu.memory_space<hbm>> -> memref<16x64xf32, #tpu.memory_space<hbm>>
        tpu.enqueue_dma source(%dma_start3A_90 : memref<16x64xf32, #tpu.memory_space<hbm>>) target(%dma_start3A_87 : memref<16x64xf32, #tpu.memory_space<vmem_shared>>) target_semaphore(%run_scoped3A_84 : memref<!tpu.dma_semaphore, #tpu.memory_space<semaphore_mem>>)
        %dma_wait3A = arith.constant 9984 : i32
        %dma_wait3A_91 = arith.constant 0 : i32
        %dma_wait3A_92 = tpu.memref_slice %arg9[%dma_wait3A, %dma_wait3A_91] : memref<10000x64xf32, #tpu.memory_space<vmem_shared>> -> memref<16x64xf32, #tpu.memory_space<vmem_shared>>
        %dma_wait3A_93 = arith.constant 9984 : i32
        %dma_wait3A_94 = arith.constant 0 : i32
        %dma_wait3A_95 = tpu.memref_slice %arg4[%dma_wait3A_93, %dma_wait3A_94] : memref<10000x64xf32, #tpu.memory_space<hbm>> -> memref<16x64xf32, #tpu.memory_space<hbm>>
        tpu.wait_dma2 semaphore(%run_scoped3A_84 : memref<!tpu.dma_semaphore, #tpu.memory_space<semaphore_mem>>) src(%dma_wait3A_95 : memref<16x64xf32, #tpu.memory_space<hbm>>) dst(%dma_wait3A_92 : memref<16x64xf32, #tpu.memory_space<vmem_shared>>)
        tpu.yield
      }) : () -> ()
    } else {
    }
    %run_scoped3A = arith.constant 0 : i32
    "tpu.region"() ({
      %run_scoped3A_84 = tpu.sem_alloc : memref<!tpu.dma_semaphore, #tpu.memory_space<semaphore_mem>>
      %dma_start3A_85 = arith.constant 0 : i32
      %dma_start3A_86 = arith.constant 0 : i32
      %dma_start3A_87 = tpu.memref_slice %arg3[%run_scoped3A, %add3A, %dma_start3A_85, %dma_start3A_86] : memref<2x32x125x80xi32, #tpu.memory_space<hbm>> -> memref<1x1x125x80xi32, #tpu.memory_space<hbm>>
      %dma_start3A_88 = tpu.memref_squeeze %dma_start3A_87 : memref<1x1x125x80xi32, #tpu.memory_space<hbm>> -> memref<125x80xi32, #tpu.memory_space<hbm>>
      %dma_start3A_89 = arith.constant 0 : i32
      %dma_start3A_90 = arith.constant 0 : i32
      %dma_start3A_91 = tpu.memref_slice %arg3[%run_scoped3A, %add3A, %dma_start3A_89, %dma_start3A_90] : memref<2x32x125x80xi32, #tpu.memory_space<hbm>> -> memref<1x1x125x80xi32, #tpu.memory_space<hbm>>
      %dma_start3A_92 = tpu.memref_squeeze %dma_start3A_91 : memref<1x1x125x80xi32, #tpu.memory_space<hbm>> -> memref<125x80xi32, #tpu.memory_space<hbm>>
      tpu.enqueue_dma source(%dma_start3A_92 : memref<125x80xi32, #tpu.memory_space<hbm>>) target(%arg6 : memref<125x80xi32, #tpu.memory_space<vmem>>) target_semaphore(%run_scoped3A_84 : memref<!tpu.dma_semaphore, #tpu.memory_space<semaphore_mem>>)
      %dma_wait3A = arith.constant 0 : i32
      %dma_wait3A_93 = arith.constant 0 : i32
      %dma_wait3A_94 = tpu.memref_slice %arg3[%run_scoped3A, %add3A, %dma_wait3A, %dma_wait3A_93] : memref<2x32x125x80xi32, #tpu.memory_space<hbm>> -> memref<1x1x125x80xi32, #tpu.memory_space<hbm>>
      %dma_wait3A_95 = tpu.memref_squeeze %dma_wait3A_94 : memref<1x1x125x80xi32, #tpu.memory_space<hbm>> -> memref<125x80xi32, #tpu.memory_space<hbm>>
      %dma_wait3A_96 = arith.constant 0 : i32
      %dma_wait3A_97 = arith.constant 0 : i32
      %dma_wait3A_98 = tpu.memref_slice %arg3[%run_scoped3A, %add3A, %dma_wait3A_96, %dma_wait3A_97] : memref<2x32x125x80xi32, #tpu.memory_space<hbm>> -> memref<1x1x125x80xi32, #tpu.memory_space<hbm>>
      %dma_wait3A_99 = tpu.memref_squeeze %dma_wait3A_98 : memref<1x1x125x80xi32, #tpu.memory_space<hbm>> -> memref<125x80xi32, #tpu.memory_space<hbm>>
      tpu.wait_dma2 semaphore(%run_scoped3A_84 : memref<!tpu.dma_semaphore, #tpu.memory_space<semaphore_mem>>) src(%dma_wait3A_99 : memref<125x80xi32, #tpu.memory_space<hbm>>) dst(%arg6 : memref<125x80xi32, #tpu.memory_space<vmem>>)
      tpu.yield
    }) : () -> ()
    %run_scoped3A_7 = arith.constant 1 : i32
    "tpu.region"() ({
      %run_scoped3A_84 = tpu.sem_alloc : memref<!tpu.dma_semaphore, #tpu.memory_space<semaphore_mem>>
      %dma_start3A_85 = arith.constant 0 : i32
      %dma_start3A_86 = arith.constant 0 : i32
      %dma_start3A_87 = tpu.memref_slice %arg3[%run_scoped3A_7, %add3A, %dma_start3A_85, %dma_start3A_86] : memref<2x32x125x80xi32, #tpu.memory_space<hbm>> -> memref<1x1x125x80xi32, #tpu.memory_space<hbm>>
      %dma_start3A_88 = tpu.memref_squeeze %dma_start3A_87 : memref<1x1x125x80xi32, #tpu.memory_space<hbm>> -> memref<125x80xi32, #tpu.memory_space<hbm>>
      %dma_start3A_89 = arith.constant 0 : i32
      %dma_start3A_90 = arith.constant 0 : i32
      %dma_start3A_91 = tpu.memref_slice %arg3[%run_scoped3A_7, %add3A, %dma_start3A_89, %dma_start3A_90] : memref<2x32x125x80xi32, #tpu.memory_space<hbm>> -> memref<1x1x125x80xi32, #tpu.memory_space<hbm>>
      %dma_start3A_92 = tpu.memref_squeeze %dma_start3A_91 : memref<1x1x125x80xi32, #tpu.memory_space<hbm>> -> memref<125x80xi32, #tpu.memory_space<hbm>>
      tpu.enqueue_dma source(%dma_start3A_92 : memref<125x80xi32, #tpu.memory_space<hbm>>) target(%arg7 : memref<125x80xi32, #tpu.memory_space<vmem>>) target_semaphore(%run_scoped3A_84 : memref<!tpu.dma_semaphore, #tpu.memory_space<semaphore_mem>>)
      %dma_wait3A = arith.constant 0 : i32
      %dma_wait3A_93 = arith.constant 0 : i32
      %dma_wait3A_94 = tpu.memref_slice %arg3[%run_scoped3A_7, %add3A, %dma_wait3A, %dma_wait3A_93] : memref<2x32x125x80xi32, #tpu.memory_space<hbm>> -> memref<1x1x125x80xi32, #tpu.memory_space<hbm>>
      %dma_wait3A_95 = tpu.memref_squeeze %dma_wait3A_94 : memref<1x1x125x80xi32, #tpu.memory_space<hbm>> -> memref<125x80xi32, #tpu.memory_space<hbm>>
      %dma_wait3A_96 = arith.constant 0 : i32
      %dma_wait3A_97 = arith.constant 0 : i32
      %dma_wait3A_98 = tpu.memref_slice %arg3[%run_scoped3A_7, %add3A, %dma_wait3A_96, %dma_wait3A_97] : memref<2x32x125x80xi32, #tpu.memory_space<hbm>> -> memref<1x1x125x80xi32, #tpu.memory_space<hbm>>
      %dma_wait3A_99 = tpu.memref_squeeze %dma_wait3A_98 : memref<1x1x125x80xi32, #tpu.memory_space<hbm>> -> memref<125x80xi32, #tpu.memory_space<hbm>>
      tpu.wait_dma2 semaphore(%run_scoped3A_84 : memref<!tpu.dma_semaphore, #tpu.memory_space<semaphore_mem>>) src(%dma_wait3A_99 : memref<125x80xi32, #tpu.memory_space<hbm>>) dst(%arg7 : memref<125x80xi32, #tpu.memory_space<vmem>>)
      tpu.yield
    }) : () -> ()
    %barrier3A = arith.constant 0 : index
    tpu.barrier barrier_id(%barrier3A)
    %dma_start3A = arith.constant 0 : i32
    %dma_start3A_8 = arith.constant 0 : i32
    %dma_start3A_9 = arith.constant 0 : i32
    %dma_start3A_10 = arith.constant 0 : i32
    %dma_start3A_11 = tpu.memref_slice %arg8[%dma_start3A_8, %dma_start3A_9, %dma_start3A_10] : memref<5x80x64xf32, #tpu.memory_space<vmem>> -> memref<1x80x64xf32, #tpu.memory_space<vmem>>
    %dma_start3A_12 = tpu.memref_squeeze %dma_start3A_11 : memref<1x80x64xf32, #tpu.memory_space<vmem>> -> memref<80x64xf32, #tpu.memory_space<vmem>>
    %dma_start3A_13 = arith.constant 0 : i32
    %dma_start3A_14 = tpu.memref_slice %arg6[%dma_start3A, %dma_start3A_13] : memref<125x80xi32, #tpu.memory_space<vmem>> -> memref<1x80xi32, #tpu.memory_space<vmem>>
    %dma_start3A_15 = tpu.memref_squeeze %dma_start3A_14 : memref<1x80xi32, #tpu.memory_space<vmem>> -> memref<80xi32, #tpu.memory_space<vmem>>
    %dma_start3A_16 = arith.constant 0 : i32
    %dma_start3A_17 = arith.constant 0 : i32
    %dma_start3A_18 = tpu.memref_slice %arg2[%dma_start3A_16, %dma_start3A_17] : memref<20000x64xf32, #tpu.memory_space<hbm>> -> memref<20000x64xf32, #tpu.memory_space<hbm>>
    tpu.enqueue_indirect_dma source(%dma_start3A_18 : memref<20000x64xf32, #tpu.memory_space<hbm>>) target(%dma_start3A_12 : memref<80x64xf32, #tpu.memory_space<vmem>>) offsets(%dma_start3A_15 : memref<80xi32, #tpu.memory_space<vmem>>) semaphore(%arg10 : memref<!tpu.dma_semaphore, #tpu.memory_space<semaphore_mem>>)
    %dma_start3A_19 = arith.constant 1 : i32
    %dma_start3A_20 = arith.constant 1 : i32
    %dma_start3A_21 = arith.constant 0 : i32
    %dma_start3A_22 = arith.constant 0 : i32
    %dma_start3A_23 = tpu.memref_slice %arg8[%dma_start3A_20, %dma_start3A_21, %dma_start3A_22] : memref<5x80x64xf32, #tpu.memory_space<vmem>> -> memref<1x80x64xf32, #tpu.memory_space<vmem>>
    %dma_start3A_24 = tpu.memref_squeeze %dma_start3A_23 : memref<1x80x64xf32, #tpu.memory_space<vmem>> -> memref<80x64xf32, #tpu.memory_space<vmem>>
    %dma_start3A_25 = arith.constant 0 : i32
    %dma_start3A_26 = tpu.memref_slice %arg6[%dma_start3A_19, %dma_start3A_25] : memref<125x80xi32, #tpu.memory_space<vmem>> -> memref<1x80xi32, #tpu.memory_space<vmem>>
    %dma_start3A_27 = tpu.memref_squeeze %dma_start3A_26 : memref<1x80xi32, #tpu.memory_space<vmem>> -> memref<80xi32, #tpu.memory_space<vmem>>
    %dma_start3A_28 = arith.constant 0 : i32
    %dma_start3A_29 = arith.constant 0 : i32
    %dma_start3A_30 = tpu.memref_slice %arg2[%dma_start3A_28, %dma_start3A_29] : memref<20000x64xf32, #tpu.memory_space<hbm>> -> memref<20000x64xf32, #tpu.memory_space<hbm>>
    tpu.enqueue_indirect_dma source(%dma_start3A_30 : memref<20000x64xf32, #tpu.memory_space<hbm>>) target(%dma_start3A_24 : memref<80x64xf32, #tpu.memory_space<vmem>>) offsets(%dma_start3A_27 : memref<80xi32, #tpu.memory_space<vmem>>) semaphore(%arg11 : memref<!tpu.dma_semaphore, #tpu.memory_space<semaphore_mem>>)
    %dma_start3A_31 = arith.constant 2 : i32
    %dma_start3A_32 = arith.constant 2 : i32
    %dma_start3A_33 = arith.constant 0 : i32
    %dma_start3A_34 = arith.constant 0 : i32
    %dma_start3A_35 = tpu.memref_slice %arg8[%dma_start3A_32, %dma_start3A_33, %dma_start3A_34] : memref<5x80x64xf32, #tpu.memory_space<vmem>> -> memref<1x80x64xf32, #tpu.memory_space<vmem>>
    %dma_start3A_36 = tpu.memref_squeeze %dma_start3A_35 : memref<1x80x64xf32, #tpu.memory_space<vmem>> -> memref<80x64xf32, #tpu.memory_space<vmem>>
    %dma_start3A_37 = arith.constant 0 : i32
    %dma_start3A_38 = tpu.memref_slice %arg6[%dma_start3A_31, %dma_start3A_37] : memref<125x80xi32, #tpu.memory_space<vmem>> -> memref<1x80xi32, #tpu.memory_space<vmem>>
    %dma_start3A_39 = tpu.memref_squeeze %dma_start3A_38 : memref<1x80xi32, #tpu.memory_space<vmem>> -> memref<80xi32, #tpu.memory_space<vmem>>
    %dma_start3A_40 = arith.constant 0 : i32
    %dma_start3A_41 = arith.constant 0 : i32
    %dma_start3A_42 = tpu.memref_slice %arg2[%dma_start3A_40, %dma_start3A_41] : memref<20000x64xf32, #tpu.memory_space<hbm>> -> memref<20000x64xf32, #tpu.memory_space<hbm>>
    tpu.enqueue_indirect_dma source(%dma_start3A_42 : memref<20000x64xf32, #tpu.memory_space<hbm>>) target(%dma_start3A_36 : memref<80x64xf32, #tpu.memory_space<vmem>>) offsets(%dma_start3A_39 : memref<80xi32, #tpu.memory_space<vmem>>) semaphore(%arg12 : memref<!tpu.dma_semaphore, #tpu.memory_space<semaphore_mem>>)
    %dma_start3A_43 = arith.constant 3 : i32
    %dma_start3A_44 = arith.constant 3 : i32
    %dma_start3A_45 = arith.constant 0 : i32
    %dma_start3A_46 = arith.constant 0 : i32
    %dma_start3A_47 = tpu.memref_slice %arg8[%dma_start3A_44, %dma_start3A_45, %dma_start3A_46] : memref<5x80x64xf32, #tpu.memory_space<vmem>> -> memref<1x80x64xf32, #tpu.memory_space<vmem>>
    %dma_start3A_48 = tpu.memref_squeeze %dma_start3A_47 : memref<1x80x64xf32, #tpu.memory_space<vmem>> -> memref<80x64xf32, #tpu.memory_space<vmem>>
    %dma_start3A_49 = arith.constant 0 : i32
    %dma_start3A_50 = tpu.memref_slice %arg6[%dma_start3A_43, %dma_start3A_49] : memref<125x80xi32, #tpu.memory_space<vmem>> -> memref<1x80xi32, #tpu.memory_space<vmem>>
    %dma_start3A_51 = tpu.memref_squeeze %dma_start3A_50 : memref<1x80xi32, #tpu.memory_space<vmem>> -> memref<80xi32, #tpu.memory_space<vmem>>
    %dma_start3A_52 = arith.constant 0 : i32
    %dma_start3A_53 = arith.constant 0 : i32
    %dma_start3A_54 = tpu.memref_slice %arg2[%dma_start3A_52, %dma_start3A_53] : memref<20000x64xf32, #tpu.memory_space<hbm>> -> memref<20000x64xf32, #tpu.memory_space<hbm>>
    tpu.enqueue_indirect_dma source(%dma_start3A_54 : memref<20000x64xf32, #tpu.memory_space<hbm>>) target(%dma_start3A_48 : memref<80x64xf32, #tpu.memory_space<vmem>>) offsets(%dma_start3A_51 : memref<80xi32, #tpu.memory_space<vmem>>) semaphore(%arg13 : memref<!tpu.dma_semaphore, #tpu.memory_space<semaphore_mem>>)
    %dma_start3A_55 = arith.constant 4 : i32
    %dma_start3A_56 = arith.constant 4 : i32
    %dma_start3A_57 = arith.constant 0 : i32
    %dma_start3A_58 = arith.constant 0 : i32
    %dma_start3A_59 = tpu.memref_slice %arg8[%dma_start3A_56, %dma_start3A_57, %dma_start3A_58] : memref<5x80x64xf32, #tpu.memory_space<vmem>> -> memref<1x80x64xf32, #tpu.memory_space<vmem>>
    %dma_start3A_60 = tpu.memref_squeeze %dma_start3A_59 : memref<1x80x64xf32, #tpu.memory_space<vmem>> -> memref<80x64xf32, #tpu.memory_space<vmem>>
    %dma_start3A_61 = arith.constant 0 : i32
    %dma_start3A_62 = tpu.memref_slice %arg6[%dma_start3A_55, %dma_start3A_61] : memref<125x80xi32, #tpu.memory_space<vmem>> -> memref<1x80xi32, #tpu.memory_space<vmem>>
    %dma_start3A_63 = tpu.memref_squeeze %dma_start3A_62 : memref<1x80xi32, #tpu.memory_space<vmem>> -> memref<80xi32, #tpu.memory_space<vmem>>
    %dma_start3A_64 = arith.constant 0 : i32
    %dma_start3A_65 = arith.constant 0 : i32
    %dma_start3A_66 = tpu.memref_slice %arg2[%dma_start3A_64, %dma_start3A_65] : memref<20000x64xf32, #tpu.memory_space<hbm>> -> memref<20000x64xf32, #tpu.memory_space<hbm>>
    tpu.enqueue_indirect_dma source(%dma_start3A_66 : memref<20000x64xf32, #tpu.memory_space<hbm>>) target(%dma_start3A_60 : memref<80x64xf32, #tpu.memory_space<vmem>>) offsets(%dma_start3A_63 : memref<80xi32, #tpu.memory_space<vmem>>) semaphore(%arg14 : memref<!tpu.dma_semaphore, #tpu.memory_space<semaphore_mem>>)
    %scan3A = arith.constant 0 : i32
    %scan3A_67 = arith.constant 0 : i32
    %scan3A_68 = arith.constant 25 : i32
    %scan3A_69 = arith.addi %scan3A_67, %scan3A_68 : i32
    %scan3A_70 = arith.constant 1 : i32
    scf.for %scan3A_84 = %scan3A_67 to %scan3A_69 step %scan3A_70  : i32 {
      %mul3A_85 = arith.constant 5 : i32
      %mul3A_86 = arith.muli %scan3A_84, %mul3A_85 : i32
      %add3A_87 = arith.constant 0 : i32
      %add3A_88 = arith.addi %mul3A_86, %add3A_87 : i32
      %lt3A = arith.constant 125 : i32
      %lt3A_89 = arith.cmpi slt, %add3A_88, %lt3A : i32
      %convert_element_type3A_90 = arith.extui %lt3A_89 : i1 to i32
      %cond3A_91 = arith.constant 0 : i32
      %cond3A_92 = arith.cmpi ne, %convert_element_type3A_90, %cond3A_91 : i32
      scf.if %cond3A_92 {
        %dma_wait3A = arith.constant 0 : i32
        %dma_wait3A_129 = arith.constant 0 : i32
        %dma_wait3A_130 = arith.constant 0 : i32
        %dma_wait3A_131 = tpu.memref_slice %arg8[%dma_wait3A, %dma_wait3A_129, %dma_wait3A_130] : memref<5x80x64xf32, #tpu.memory_space<vmem>> -> memref<1x80x64xf32, #tpu.memory_space<vmem>>
        %dma_wait3A_132 = tpu.memref_squeeze %dma_wait3A_131 : memref<1x80x64xf32, #tpu.memory_space<vmem>> -> memref<80x64xf32, #tpu.memory_space<vmem>>
        %dma_wait3A_133 = arith.constant 0 : i32
        %dma_wait3A_134 = tpu.memref_slice %arg6[%add3A_88, %dma_wait3A_133] : memref<125x80xi32, #tpu.memory_space<vmem>> -> memref<1x80xi32, #tpu.memory_space<vmem>>
        %dma_wait3A_135 = tpu.memref_squeeze %dma_wait3A_134 : memref<1x80xi32, #tpu.memory_space<vmem>> -> memref<80xi32, #tpu.memory_space<vmem>>
        %dma_wait3A_136 = arith.constant 0 : i32
        %dma_wait3A_137 = arith.constant 0 : i32
        %dma_wait3A_138 = tpu.memref_slice %arg2[%dma_wait3A_136, %dma_wait3A_137] : memref<20000x64xf32, #tpu.memory_space<hbm>> -> memref<20000x64xf32, #tpu.memory_space<hbm>>
        tpu.wait_indirect_dma semaphore(%arg10 : memref<!tpu.dma_semaphore, #tpu.memory_space<semaphore_mem>>) src(%dma_wait3A_138 : memref<20000x64xf32, #tpu.memory_space<hbm>>) dst(%dma_wait3A_132 : memref<80x64xf32, #tpu.memory_space<vmem>>)
        %run_scoped3A_139 = arith.constant 0 : i32
        "tpu.region"() ({
          %run_scoped3A_147 = tpu.sem_alloc : memref<!tpu.dma_semaphore, #tpu.memory_space<semaphore_mem>>
          %dma_start3A_148 = arith.constant 0 : i32
          %dma_start3A_149 = arith.constant 0 : i32
          %dma_start3A_150 = tpu.memref_slice %arg8[%run_scoped3A_139, %dma_start3A_148, %dma_start3A_149] : memref<5x80x64xf32, #tpu.memory_space<vmem>> -> memref<1x80x64xf32, #tpu.memory_space<vmem>>
          %dma_start3A_151 = tpu.memref_squeeze %dma_start3A_150 : memref<1x80x64xf32, #tpu.memory_space<vmem>> -> memref<80x64xf32, #tpu.memory_space<vmem>>
          %dma_start3A_152 = arith.constant 0 : i32
          %dma_start3A_153 = tpu.memref_slice %arg7[%add3A_88, %dma_start3A_152] : memref<125x80xi32, #tpu.memory_space<vmem>> -> memref<1x80xi32, #tpu.memory_space<vmem>>
          %dma_start3A_154 = tpu.memref_squeeze %dma_start3A_153 : memref<1x80xi32, #tpu.memory_space<vmem>> -> memref<80xi32, #tpu.memory_space<vmem>>
          %dma_start3A_155 = arith.constant 0 : i32
          %dma_start3A_156 = arith.constant 0 : i32
          %dma_start3A_157 = tpu.memref_slice %arg9[%dma_start3A_155, %dma_start3A_156] : memref<10000x64xf32, #tpu.memory_space<vmem_shared>> -> memref<10000x64xf32, #tpu.memory_space<vmem_shared>>
          tpu.enqueue_indirect_dma source(%dma_start3A_151 : memref<80x64xf32, #tpu.memory_space<vmem>>) target(%dma_start3A_157 : memref<10000x64xf32, #tpu.memory_space<vmem_shared>>) offsets(%dma_start3A_154 : memref<80xi32, #tpu.memory_space<vmem>>) semaphore(%run_scoped3A_147 : memref<!tpu.dma_semaphore, #tpu.memory_space<semaphore_mem>>) {add = true}
          %dma_wait3A_158 = arith.constant 0 : i32
          %dma_wait3A_159 = arith.constant 0 : i32
          %dma_wait3A_160 = tpu.memref_slice %arg8[%run_scoped3A_139, %dma_wait3A_158, %dma_wait3A_159] : memref<5x80x64xf32, #tpu.memory_space<vmem>> -> memref<1x80x64xf32, #tpu.memory_space<vmem>>
          %dma_wait3A_161 = tpu.memref_squeeze %dma_wait3A_160 : memref<1x80x64xf32, #tpu.memory_space<vmem>> -> memref<80x64xf32, #tpu.memory_space<vmem>>
          %dma_wait3A_162 = arith.constant 0 : i32
          %dma_wait3A_163 = tpu.memref_slice %arg7[%add3A_88, %dma_wait3A_162] : memref<125x80xi32, #tpu.memory_space<vmem>> -> memref<1x80xi32, #tpu.memory_space<vmem>>
          %dma_wait3A_164 = tpu.memref_squeeze %dma_wait3A_163 : memref<1x80xi32, #tpu.memory_space<vmem>> -> memref<80xi32, #tpu.memory_space<vmem>>
          %dma_wait3A_165 = arith.constant 0 : i32
          %dma_wait3A_166 = arith.constant 0 : i32
          %dma_wait3A_167 = tpu.memref_slice %arg9[%dma_wait3A_165, %dma_wait3A_166] : memref<10000x64xf32, #tpu.memory_space<vmem_shared>> -> memref<10000x64xf32, #tpu.memory_space<vmem_shared>>
          tpu.wait_indirect_dma semaphore(%run_scoped3A_147 : memref<!tpu.dma_semaphore, #tpu.memory_space<semaphore_mem>>) src(%dma_wait3A_161 : memref<80x64xf32, #tpu.memory_space<vmem>>) dst(%dma_wait3A_167 : memref<10000x64xf32, #tpu.memory_space<vmem_shared>>)
          tpu.yield
        }) : () -> ()
        %add3A_140 = arith.constant 5 : i32
        %add3A_141 = arith.addi %add3A_88, %add3A_140 : i32
        %lt3A_142 = arith.constant 125 : i32
        %lt3A_143 = arith.cmpi slt, %add3A_141, %lt3A_142 : i32
        %convert_element_type3A_144 = arith.extui %lt3A_143 : i1 to i32
        %cond3A_145 = arith.constant 0 : i32
        %cond3A_146 = arith.cmpi ne, %convert_element_type3A_144, %cond3A_145 : i32
        scf.if %cond3A_146 {
          %add3A_147 = arith.constant 5 : i32
          %add3A_148 = arith.addi %add3A_88, %add3A_147 : i32
          %dma_start3A_149 = arith.constant 0 : i32
          %dma_start3A_150 = arith.constant 0 : i32
          %dma_start3A_151 = arith.constant 0 : i32
          %dma_start3A_152 = tpu.memref_slice %arg8[%dma_start3A_149, %dma_start3A_150, %dma_start3A_151] : memref<5x80x64xf32, #tpu.memory_space<vmem>> -> memref<1x80x64xf32, #tpu.memory_space<vmem>>
          %dma_start3A_153 = tpu.memref_squeeze %dma_start3A_152 : memref<1x80x64xf32, #tpu.memory_space<vmem>> -> memref<80x64xf32, #tpu.memory_space<vmem>>
          %dma_start3A_154 = arith.constant 0 : i32
          %dma_start3A_155 = tpu.memref_slice %arg6[%add3A_148, %dma_start3A_154] : memref<125x80xi32, #tpu.memory_space<vmem>> -> memref<1x80xi32, #tpu.memory_space<vmem>>
          %dma_start3A_156 = tpu.memref_squeeze %dma_start3A_155 : memref<1x80xi32, #tpu.memory_space<vmem>> -> memref<80xi32, #tpu.memory_space<vmem>>
          %dma_start3A_157 = arith.constant 0 : i32
          %dma_start3A_158 = arith.constant 0 : i32
          %dma_start3A_159 = tpu.memref_slice %arg2[%dma_start3A_157, %dma_start3A_158] : memref<20000x64xf32, #tpu.memory_space<hbm>> -> memref<20000x64xf32, #tpu.memory_space<hbm>>
          tpu.enqueue_indirect_dma source(%dma_start3A_159 : memref<20000x64xf32, #tpu.memory_space<hbm>>) target(%dma_start3A_153 : memref<80x64xf32, #tpu.memory_space<vmem>>) offsets(%dma_start3A_156 : memref<80xi32, #tpu.memory_space<vmem>>) semaphore(%arg10 : memref<!tpu.dma_semaphore, #tpu.memory_space<semaphore_mem>>)
        } else {
        }
      } else {
      }
      %mul3A_93 = arith.constant 5 : i32
      %mul3A_94 = arith.muli %scan3A_84, %mul3A_93 : i32
      %add3A_95 = arith.constant 1 : i32
      %add3A_96 = arith.addi %mul3A_94, %add3A_95 : i32
      %lt3A_97 = arith.constant 125 : i32
      %lt3A_98 = arith.cmpi slt, %add3A_96, %lt3A_97 : i32
      %convert_element_type3A_99 = arith.extui %lt3A_98 : i1 to i32
      %cond3A_100 = arith.constant 0 : i32
      %cond3A_101 = arith.cmpi ne, %convert_element_type3A_99, %cond3A_100 : i32
      scf.if %cond3A_101 {
        %dma_wait3A = arith.constant 1 : i32
        %dma_wait3A_129 = arith.constant 0 : i32
        %dma_wait3A_130 = arith.constant 0 : i32
        %dma_wait3A_131 = tpu.memref_slice %arg8[%dma_wait3A, %dma_wait3A_129, %dma_wait3A_130] : memref<5x80x64xf32, #tpu.memory_space<vmem>> -> memref<1x80x64xf32, #tpu.memory_space<vmem>>
        %dma_wait3A_132 = tpu.memref_squeeze %dma_wait3A_131 : memref<1x80x64xf32, #tpu.memory_space<vmem>> -> memref<80x64xf32, #tpu.memory_space<vmem>>
        %dma_wait3A_133 = arith.constant 0 : i32
        %dma_wait3A_134 = tpu.memref_slice %arg6[%add3A_96, %dma_wait3A_133] : memref<125x80xi32, #tpu.memory_space<vmem>> -> memref<1x80xi32, #tpu.memory_space<vmem>>
        %dma_wait3A_135 = tpu.memref_squeeze %dma_wait3A_134 : memref<1x80xi32, #tpu.memory_space<vmem>> -> memref<80xi32, #tpu.memory_space<vmem>>
        %dma_wait3A_136 = arith.constant 0 : i32
        %dma_wait3A_137 = arith.constant 0 : i32
        %dma_wait3A_138 = tpu.memref_slice %arg2[%dma_wait3A_136, %dma_wait3A_137] : memref<20000x64xf32, #tpu.memory_space<hbm>> -> memref<20000x64xf32, #tpu.memory_space<hbm>>
        tpu.wait_indirect_dma semaphore(%arg11 : memref<!tpu.dma_semaphore, #tpu.memory_space<semaphore_mem>>) src(%dma_wait3A_138 : memref<20000x64xf32, #tpu.memory_space<hbm>>) dst(%dma_wait3A_132 : memref<80x64xf32, #tpu.memory_space<vmem>>)
        %run_scoped3A_139 = arith.constant 1 : i32
        "tpu.region"() ({
          %run_scoped3A_147 = tpu.sem_alloc : memref<!tpu.dma_semaphore, #tpu.memory_space<semaphore_mem>>
          %dma_start3A_148 = arith.constant 0 : i32
          %dma_start3A_149 = arith.constant 0 : i32
          %dma_start3A_150 = tpu.memref_slice %arg8[%run_scoped3A_139, %dma_start3A_148, %dma_start3A_149] : memref<5x80x64xf32, #tpu.memory_space<vmem>> -> memref<1x80x64xf32, #tpu.memory_space<vmem>>
          %dma_start3A_151 = tpu.memref_squeeze %dma_start3A_150 : memref<1x80x64xf32, #tpu.memory_space<vmem>> -> memref<80x64xf32, #tpu.memory_space<vmem>>
          %dma_start3A_152 = arith.constant 0 : i32
          %dma_start3A_153 = tpu.memref_slice %arg7[%add3A_96, %dma_start3A_152] : memref<125x80xi32, #tpu.memory_space<vmem>> -> memref<1x80xi32, #tpu.memory_space<vmem>>
          %dma_start3A_154 = tpu.memref_squeeze %dma_start3A_153 : memref<1x80xi32, #tpu.memory_space<vmem>> -> memref<80xi32, #tpu.memory_space<vmem>>
          %dma_start3A_155 = arith.constant 0 : i32
          %dma_start3A_156 = arith.constant 0 : i32
          %dma_start3A_157 = tpu.memref_slice %arg9[%dma_start3A_155, %dma_start3A_156] : memref<10000x64xf32, #tpu.memory_space<vmem_shared>> -> memref<10000x64xf32, #tpu.memory_space<vmem_shared>>
          tpu.enqueue_indirect_dma source(%dma_start3A_151 : memref<80x64xf32, #tpu.memory_space<vmem>>) target(%dma_start3A_157 : memref<10000x64xf32, #tpu.memory_space<vmem_shared>>) offsets(%dma_start3A_154 : memref<80xi32, #tpu.memory_space<vmem>>) semaphore(%run_scoped3A_147 : memref<!tpu.dma_semaphore, #tpu.memory_space<semaphore_mem>>) {add = true}
          %dma_wait3A_158 = arith.constant 0 : i32
          %dma_wait3A_159 = arith.constant 0 : i32
          %dma_wait3A_160 = tpu.memref_slice %arg8[%run_scoped3A_139, %dma_wait3A_158, %dma_wait3A_159] : memref<5x80x64xf32, #tpu.memory_space<vmem>> -> memref<1x80x64xf32, #tpu.memory_space<vmem>>
          %dma_wait3A_161 = tpu.memref_squeeze %dma_wait3A_160 : memref<1x80x64xf32, #tpu.memory_space<vmem>> -> memref<80x64xf32, #tpu.memory_space<vmem>>
          %dma_wait3A_162 = arith.constant 0 : i32
          %dma_wait3A_163 = tpu.memref_slice %arg7[%add3A_96, %dma_wait3A_162] : memref<125x80xi32, #tpu.memory_space<vmem>> -> memref<1x80xi32, #tpu.memory_space<vmem>>
          %dma_wait3A_164 = tpu.memref_squeeze %dma_wait3A_163 : memref<1x80xi32, #tpu.memory_space<vmem>> -> memref<80xi32, #tpu.memory_space<vmem>>
          %dma_wait3A_165 = arith.constant 0 : i32
          %dma_wait3A_166 = arith.constant 0 : i32
          %dma_wait3A_167 = tpu.memref_slice %arg9[%dma_wait3A_165, %dma_wait3A_166] : memref<10000x64xf32, #tpu.memory_space<vmem_shared>> -> memref<10000x64xf32, #tpu.memory_space<vmem_shared>>
          tpu.wait_indirect_dma semaphore(%run_scoped3A_147 : memref<!tpu.dma_semaphore, #tpu.memory_space<semaphore_mem>>) src(%dma_wait3A_161 : memref<80x64xf32, #tpu.memory_space<vmem>>) dst(%dma_wait3A_167 : memref<10000x64xf32, #tpu.memory_space<vmem_shared>>)
          tpu.yield
        }) : () -> ()
        %add3A_140 = arith.constant 5 : i32
        %add3A_141 = arith.addi %add3A_96, %add3A_140 : i32
        %lt3A_142 = arith.constant 125 : i32
        %lt3A_143 = arith.cmpi slt, %add3A_141, %lt3A_142 : i32
        %convert_element_type3A_144 = arith.extui %lt3A_143 : i1 to i32
        %cond3A_145 = arith.constant 0 : i32
        %cond3A_146 = arith.cmpi ne, %convert_element_type3A_144, %cond3A_145 : i32
        scf.if %cond3A_146 {
          %add3A_147 = arith.constant 5 : i32
          %add3A_148 = arith.addi %add3A_96, %add3A_147 : i32
          %dma_start3A_149 = arith.constant 1 : i32
          %dma_start3A_150 = arith.constant 0 : i32
          %dma_start3A_151 = arith.constant 0 : i32
          %dma_start3A_152 = tpu.memref_slice %arg8[%dma_start3A_149, %dma_start3A_150, %dma_start3A_151] : memref<5x80x64xf32, #tpu.memory_space<vmem>> -> memref<1x80x64xf32, #tpu.memory_space<vmem>>
          %dma_start3A_153 = tpu.memref_squeeze %dma_start3A_152 : memref<1x80x64xf32, #tpu.memory_space<vmem>> -> memref<80x64xf32, #tpu.memory_space<vmem>>
          %dma_start3A_154 = arith.constant 0 : i32
          %dma_start3A_155 = tpu.memref_slice %arg6[%add3A_148, %dma_start3A_154] : memref<125x80xi32, #tpu.memory_space<vmem>> -> memref<1x80xi32, #tpu.memory_space<vmem>>
          %dma_start3A_156 = tpu.memref_squeeze %dma_start3A_155 : memref<1x80xi32, #tpu.memory_space<vmem>> -> memref<80xi32, #tpu.memory_space<vmem>>
          %dma_start3A_157 = arith.constant 0 : i32
          %dma_start3A_158 = arith.constant 0 : i32
          %dma_start3A_159 = tpu.memref_slice %arg2[%dma_start3A_157, %dma_start3A_158] : memref<20000x64xf32, #tpu.memory_space<hbm>> -> memref<20000x64xf32, #tpu.memory_space<hbm>>
          tpu.enqueue_indirect_dma source(%dma_start3A_159 : memref<20000x64xf32, #tpu.memory_space<hbm>>) target(%dma_start3A_153 : memref<80x64xf32, #tpu.memory_space<vmem>>) offsets(%dma_start3A_156 : memref<80xi32, #tpu.memory_space<vmem>>) semaphore(%arg11 : memref<!tpu.dma_semaphore, #tpu.memory_space<semaphore_mem>>)
        } else {
        }
      } else {
      }
      %mul3A_102 = arith.constant 5 : i32
      %mul3A_103 = arith.muli %scan3A_84, %mul3A_102 : i32
      %add3A_104 = arith.constant 2 : i32
      %add3A_105 = arith.addi %mul3A_103, %add3A_104 : i32
      %lt3A_106 = arith.constant 125 : i32
      %lt3A_107 = arith.cmpi slt, %add3A_105, %lt3A_106 : i32
      %convert_element_type3A_108 = arith.extui %lt3A_107 : i1 to i32
      %cond3A_109 = arith.constant 0 : i32
      %cond3A_110 = arith.cmpi ne, %convert_element_type3A_108, %cond3A_109 : i32
      scf.if %cond3A_110 {
        %dma_wait3A = arith.constant 2 : i32
        %dma_wait3A_129 = arith.constant 0 : i32
        %dma_wait3A_130 = arith.constant 0 : i32
        %dma_wait3A_131 = tpu.memref_slice %arg8[%dma_wait3A, %dma_wait3A_129, %dma_wait3A_130] : memref<5x80x64xf32, #tpu.memory_space<vmem>> -> memref<1x80x64xf32, #tpu.memory_space<vmem>>
        %dma_wait3A_132 = tpu.memref_squeeze %dma_wait3A_131 : memref<1x80x64xf32, #tpu.memory_space<vmem>> -> memref<80x64xf32, #tpu.memory_space<vmem>>
        %dma_wait3A_133 = arith.constant 0 : i32
        %dma_wait3A_134 = tpu.memref_slice %arg6[%add3A_105, %dma_wait3A_133] : memref<125x80xi32, #tpu.memory_space<vmem>> -> memref<1x80xi32, #tpu.memory_space<vmem>>
        %dma_wait3A_135 = tpu.memref_squeeze %dma_wait3A_134 : memref<1x80xi32, #tpu.memory_space<vmem>> -> memref<80xi32, #tpu.memory_space<vmem>>
        %dma_wait3A_136 = arith.constant 0 : i32
        %dma_wait3A_137 = arith.constant 0 : i32
        %dma_wait3A_138 = tpu.memref_slice %arg2[%dma_wait3A_136, %dma_wait3A_137] : memref<20000x64xf32, #tpu.memory_space<hbm>> -> memref<20000x64xf32, #tpu.memory_space<hbm>>
        tpu.wait_indirect_dma semaphore(%arg12 : memref<!tpu.dma_semaphore, #tpu.memory_space<semaphore_mem>>) src(%dma_wait3A_138 : memref<20000x64xf32, #tpu.memory_space<hbm>>) dst(%dma_wait3A_132 : memref<80x64xf32, #tpu.memory_space<vmem>>)
        %run_scoped3A_139 = arith.constant 2 : i32
        "tpu.region"() ({
          %run_scoped3A_147 = tpu.sem_alloc : memref<!tpu.dma_semaphore, #tpu.memory_space<semaphore_mem>>
          %dma_start3A_148 = arith.constant 0 : i32
          %dma_start3A_149 = arith.constant 0 : i32
          %dma_start3A_150 = tpu.memref_slice %arg8[%run_scoped3A_139, %dma_start3A_148, %dma_start3A_149] : memref<5x80x64xf32, #tpu.memory_space<vmem>> -> memref<1x80x64xf32, #tpu.memory_space<vmem>>
          %dma_start3A_151 = tpu.memref_squeeze %dma_start3A_150 : memref<1x80x64xf32, #tpu.memory_space<vmem>> -> memref<80x64xf32, #tpu.memory_space<vmem>>
          %dma_start3A_152 = arith.constant 0 : i32
          %dma_start3A_153 = tpu.memref_slice %arg7[%add3A_105, %dma_start3A_152] : memref<125x80xi32, #tpu.memory_space<vmem>> -> memref<1x80xi32, #tpu.memory_space<vmem>>
          %dma_start3A_154 = tpu.memref_squeeze %dma_start3A_153 : memref<1x80xi32, #tpu.memory_space<vmem>> -> memref<80xi32, #tpu.memory_space<vmem>>
          %dma_start3A_155 = arith.constant 0 : i32
          %dma_start3A_156 = arith.constant 0 : i32
          %dma_start3A_157 = tpu.memref_slice %arg9[%dma_start3A_155, %dma_start3A_156] : memref<10000x64xf32, #tpu.memory_space<vmem_shared>> -> memref<10000x64xf32, #tpu.memory_space<vmem_shared>>
          tpu.enqueue_indirect_dma source(%dma_start3A_151 : memref<80x64xf32, #tpu.memory_space<vmem>>) target(%dma_start3A_157 : memref<10000x64xf32, #tpu.memory_space<vmem_shared>>) offsets(%dma_start3A_154 : memref<80xi32, #tpu.memory_space<vmem>>) semaphore(%run_scoped3A_147 : memref<!tpu.dma_semaphore, #tpu.memory_space<semaphore_mem>>) {add = true}
          %dma_wait3A_158 = arith.constant 0 : i32
          %dma_wait3A_159 = arith.constant 0 : i32
          %dma_wait3A_160 = tpu.memref_slice %arg8[%run_scoped3A_139, %dma_wait3A_158, %dma_wait3A_159] : memref<5x80x64xf32, #tpu.memory_space<vmem>> -> memref<1x80x64xf32, #tpu.memory_space<vmem>>
          %dma_wait3A_161 = tpu.memref_squeeze %dma_wait3A_160 : memref<1x80x64xf32, #tpu.memory_space<vmem>> -> memref<80x64xf32, #tpu.memory_space<vmem>>
          %dma_wait3A_162 = arith.constant 0 : i32
          %dma_wait3A_163 = tpu.memref_slice %arg7[%add3A_105, %dma_wait3A_162] : memref<125x80xi32, #tpu.memory_space<vmem>> -> memref<1x80xi32, #tpu.memory_space<vmem>>
          %dma_wait3A_164 = tpu.memref_squeeze %dma_wait3A_163 : memref<1x80xi32, #tpu.memory_space<vmem>> -> memref<80xi32, #tpu.memory_space<vmem>>
          %dma_wait3A_165 = arith.constant 0 : i32
          %dma_wait3A_166 = arith.constant 0 : i32
          %dma_wait3A_167 = tpu.memref_slice %arg9[%dma_wait3A_165, %dma_wait3A_166] : memref<10000x64xf32, #tpu.memory_space<vmem_shared>> -> memref<10000x64xf32, #tpu.memory_space<vmem_shared>>
          tpu.wait_indirect_dma semaphore(%run_scoped3A_147 : memref<!tpu.dma_semaphore, #tpu.memory_space<semaphore_mem>>) src(%dma_wait3A_161 : memref<80x64xf32, #tpu.memory_space<vmem>>) dst(%dma_wait3A_167 : memref<10000x64xf32, #tpu.memory_space<vmem_shared>>)
          tpu.yield
        }) : () -> ()
        %add3A_140 = arith.constant 5 : i32
        %add3A_141 = arith.addi %add3A_105, %add3A_140 : i32
        %lt3A_142 = arith.constant 125 : i32
        %lt3A_143 = arith.cmpi slt, %add3A_141, %lt3A_142 : i32
        %convert_element_type3A_144 = arith.extui %lt3A_143 : i1 to i32
        %cond3A_145 = arith.constant 0 : i32
        %cond3A_146 = arith.cmpi ne, %convert_element_type3A_144, %cond3A_145 : i32
        scf.if %cond3A_146 {
          %add3A_147 = arith.constant 5 : i32
          %add3A_148 = arith.addi %add3A_105, %add3A_147 : i32
          %dma_start3A_149 = arith.constant 2 : i32
          %dma_start3A_150 = arith.constant 0 : i32
          %dma_start3A_151 = arith.constant 0 : i32
          %dma_start3A_152 = tpu.memref_slice %arg8[%dma_start3A_149, %dma_start3A_150, %dma_start3A_151] : memref<5x80x64xf32, #tpu.memory_space<vmem>> -> memref<1x80x64xf32, #tpu.memory_space<vmem>>
          %dma_start3A_153 = tpu.memref_squeeze %dma_start3A_152 : memref<1x80x64xf32, #tpu.memory_space<vmem>> -> memref<80x64xf32, #tpu.memory_space<vmem>>
          %dma_start3A_154 = arith.constant 0 : i32
          %dma_start3A_155 = tpu.memref_slice %arg6[%add3A_148, %dma_start3A_154] : memref<125x80xi32, #tpu.memory_space<vmem>> -> memref<1x80xi32, #tpu.memory_space<vmem>>
          %dma_start3A_156 = tpu.memref_squeeze %dma_start3A_155 : memref<1x80xi32, #tpu.memory_space<vmem>> -> memref<80xi32, #tpu.memory_space<vmem>>
          %dma_start3A_157 = arith.constant 0 : i32
          %dma_start3A_158 = arith.constant 0 : i32
          %dma_start3A_159 = tpu.memref_slice %arg2[%dma_start3A_157, %dma_start3A_158] : memref<20000x64xf32, #tpu.memory_space<hbm>> -> memref<20000x64xf32, #tpu.memory_space<hbm>>
          tpu.enqueue_indirect_dma source(%dma_start3A_159 : memref<20000x64xf32, #tpu.memory_space<hbm>>) target(%dma_start3A_153 : memref<80x64xf32, #tpu.memory_space<vmem>>) offsets(%dma_start3A_156 : memref<80xi32, #tpu.memory_space<vmem>>) semaphore(%arg12 : memref<!tpu.dma_semaphore, #tpu.memory_space<semaphore_mem>>)
        } else {
        }
      } else {
      }
      %mul3A_111 = arith.constant 5 : i32
      %mul3A_112 = arith.muli %scan3A_84, %mul3A_111 : i32
      %add3A_113 = arith.constant 3 : i32
      %add3A_114 = arith.addi %mul3A_112, %add3A_113 : i32
      %lt3A_115 = arith.constant 125 : i32
      %lt3A_116 = arith.cmpi slt, %add3A_114, %lt3A_115 : i32
      %convert_element_type3A_117 = arith.extui %lt3A_116 : i1 to i32
      %cond3A_118 = arith.constant 0 : i32
      %cond3A_119 = arith.cmpi ne, %convert_element_type3A_117, %cond3A_118 : i32
      scf.if %cond3A_119 {
        %dma_wait3A = arith.constant 3 : i32
        %dma_wait3A_129 = arith.constant 0 : i32
        %dma_wait3A_130 = arith.constant 0 : i32
        %dma_wait3A_131 = tpu.memref_slice %arg8[%dma_wait3A, %dma_wait3A_129, %dma_wait3A_130] : memref<5x80x64xf32, #tpu.memory_space<vmem>> -> memref<1x80x64xf32, #tpu.memory_space<vmem>>
        %dma_wait3A_132 = tpu.memref_squeeze %dma_wait3A_131 : memref<1x80x64xf32, #tpu.memory_space<vmem>> -> memref<80x64xf32, #tpu.memory_space<vmem>>
        %dma_wait3A_133 = arith.constant 0 : i32
        %dma_wait3A_134 = tpu.memref_slice %arg6[%add3A_114, %dma_wait3A_133] : memref<125x80xi32, #tpu.memory_space<vmem>> -> memref<1x80xi32, #tpu.memory_space<vmem>>
        %dma_wait3A_135 = tpu.memref_squeeze %dma_wait3A_134 : memref<1x80xi32, #tpu.memory_space<vmem>> -> memref<80xi32, #tpu.memory_space<vmem>>
        %dma_wait3A_136 = arith.constant 0 : i32
        %dma_wait3A_137 = arith.constant 0 : i32
        %dma_wait3A_138 = tpu.memref_slice %arg2[%dma_wait3A_136, %dma_wait3A_137] : memref<20000x64xf32, #tpu.memory_space<hbm>> -> memref<20000x64xf32, #tpu.memory_space<hbm>>
        tpu.wait_indirect_dma semaphore(%arg13 : memref<!tpu.dma_semaphore, #tpu.memory_space<semaphore_mem>>) src(%dma_wait3A_138 : memref<20000x64xf32, #tpu.memory_space<hbm>>) dst(%dma_wait3A_132 : memref<80x64xf32, #tpu.memory_space<vmem>>)
        %run_scoped3A_139 = arith.constant 3 : i32
        "tpu.region"() ({
          %run_scoped3A_147 = tpu.sem_alloc : memref<!tpu.dma_semaphore, #tpu.memory_space<semaphore_mem>>
          %dma_start3A_148 = arith.constant 0 : i32
          %dma_start3A_149 = arith.constant 0 : i32
          %dma_start3A_150 = tpu.memref_slice %arg8[%run_scoped3A_139, %dma_start3A_148, %dma_start3A_149] : memref<5x80x64xf32, #tpu.memory_space<vmem>> -> memref<1x80x64xf32, #tpu.memory_space<vmem>>
          %dma_start3A_151 = tpu.memref_squeeze %dma_start3A_150 : memref<1x80x64xf32, #tpu.memory_space<vmem>> -> memref<80x64xf32, #tpu.memory_space<vmem>>
          %dma_start3A_152 = arith.constant 0 : i32
          %dma_start3A_153 = tpu.memref_slice %arg7[%add3A_114, %dma_start3A_152] : memref<125x80xi32, #tpu.memory_space<vmem>> -> memref<1x80xi32, #tpu.memory_space<vmem>>
          %dma_start3A_154 = tpu.memref_squeeze %dma_start3A_153 : memref<1x80xi32, #tpu.memory_space<vmem>> -> memref<80xi32, #tpu.memory_space<vmem>>
          %dma_start3A_155 = arith.constant 0 : i32
          %dma_start3A_156 = arith.constant 0 : i32
          %dma_start3A_157 = tpu.memref_slice %arg9[%dma_start3A_155, %dma_start3A_156] : memref<10000x64xf32, #tpu.memory_space<vmem_shared>> -> memref<10000x64xf32, #tpu.memory_space<vmem_shared>>
          tpu.enqueue_indirect_dma source(%dma_start3A_151 : memref<80x64xf32, #tpu.memory_space<vmem>>) target(%dma_start3A_157 : memref<10000x64xf32, #tpu.memory_space<vmem_shared>>) offsets(%dma_start3A_154 : memref<80xi32, #tpu.memory_space<vmem>>) semaphore(%run_scoped3A_147 : memref<!tpu.dma_semaphore, #tpu.memory_space<semaphore_mem>>) {add = true}
          %dma_wait3A_158 = arith.constant 0 : i32
          %dma_wait3A_159 = arith.constant 0 : i32
          %dma_wait3A_160 = tpu.memref_slice %arg8[%run_scoped3A_139, %dma_wait3A_158, %dma_wait3A_159] : memref<5x80x64xf32, #tpu.memory_space<vmem>> -> memref<1x80x64xf32, #tpu.memory_space<vmem>>
          %dma_wait3A_161 = tpu.memref_squeeze %dma_wait3A_160 : memref<1x80x64xf32, #tpu.memory_space<vmem>> -> memref<80x64xf32, #tpu.memory_space<vmem>>
          %dma_wait3A_162 = arith.constant 0 : i32
          %dma_wait3A_163 = tpu.memref_slice %arg7[%add3A_114, %dma_wait3A_162] : memref<125x80xi32, #tpu.memory_space<vmem>> -> memref<1x80xi32, #tpu.memory_space<vmem>>
          %dma_wait3A_164 = tpu.memref_squeeze %dma_wait3A_163 : memref<1x80xi32, #tpu.memory_space<vmem>> -> memref<80xi32, #tpu.memory_space<vmem>>
          %dma_wait3A_165 = arith.constant 0 : i32
          %dma_wait3A_166 = arith.constant 0 : i32
          %dma_wait3A_167 = tpu.memref_slice %arg9[%dma_wait3A_165, %dma_wait3A_166] : memref<10000x64xf32, #tpu.memory_space<vmem_shared>> -> memref<10000x64xf32, #tpu.memory_space<vmem_shared>>
          tpu.wait_indirect_dma semaphore(%run_scoped3A_147 : memref<!tpu.dma_semaphore, #tpu.memory_space<semaphore_mem>>) src(%dma_wait3A_161 : memref<80x64xf32, #tpu.memory_space<vmem>>) dst(%dma_wait3A_167 : memref<10000x64xf32, #tpu.memory_space<vmem_shared>>)
          tpu.yield
        }) : () -> ()
        %add3A_140 = arith.constant 5 : i32
        %add3A_141 = arith.addi %add3A_114, %add3A_140 : i32
        %lt3A_142 = arith.constant 125 : i32
        %lt3A_143 = arith.cmpi slt, %add3A_141, %lt3A_142 : i32
        %convert_element_type3A_144 = arith.extui %lt3A_143 : i1 to i32
        %cond3A_145 = arith.constant 0 : i32
        %cond3A_146 = arith.cmpi ne, %convert_element_type3A_144, %cond3A_145 : i32
        scf.if %cond3A_146 {
          %add3A_147 = arith.constant 5 : i32
          %add3A_148 = arith.addi %add3A_114, %add3A_147 : i32
          %dma_start3A_149 = arith.constant 3 : i32
          %dma_start3A_150 = arith.constant 0 : i32
          %dma_start3A_151 = arith.constant 0 : i32
          %dma_start3A_152 = tpu.memref_slice %arg8[%dma_start3A_149, %dma_start3A_150, %dma_start3A_151] : memref<5x80x64xf32, #tpu.memory_space<vmem>> -> memref<1x80x64xf32, #tpu.memory_space<vmem>>
          %dma_start3A_153 = tpu.memref_squeeze %dma_start3A_152 : memref<1x80x64xf32, #tpu.memory_space<vmem>> -> memref<80x64xf32, #tpu.memory_space<vmem>>
          %dma_start3A_154 = arith.constant 0 : i32
          %dma_start3A_155 = tpu.memref_slice %arg6[%add3A_148, %dma_start3A_154] : memref<125x80xi32, #tpu.memory_space<vmem>> -> memref<1x80xi32, #tpu.memory_space<vmem>>
          %dma_start3A_156 = tpu.memref_squeeze %dma_start3A_155 : memref<1x80xi32, #tpu.memory_space<vmem>> -> memref<80xi32, #tpu.memory_space<vmem>>
          %dma_start3A_157 = arith.constant 0 : i32
          %dma_start3A_158 = arith.constant 0 : i32
          %dma_start3A_159 = tpu.memref_slice %arg2[%dma_start3A_157, %dma_start3A_158] : memref<20000x64xf32, #tpu.memory_space<hbm>> -> memref<20000x64xf32, #tpu.memory_space<hbm>>
          tpu.enqueue_indirect_dma source(%dma_start3A_159 : memref<20000x64xf32, #tpu.memory_space<hbm>>) target(%dma_start3A_153 : memref<80x64xf32, #tpu.memory_space<vmem>>) offsets(%dma_start3A_156 : memref<80xi32, #tpu.memory_space<vmem>>) semaphore(%arg13 : memref<!tpu.dma_semaphore, #tpu.memory_space<semaphore_mem>>)
        } else {
        }
      } else {
      }
      %mul3A_120 = arith.constant 5 : i32
      %mul3A_121 = arith.muli %scan3A_84, %mul3A_120 : i32
      %add3A_122 = arith.constant 4 : i32
      %add3A_123 = arith.addi %mul3A_121, %add3A_122 : i32
      %lt3A_124 = arith.constant 125 : i32
      %lt3A_125 = arith.cmpi slt, %add3A_123, %lt3A_124 : i32
      %convert_element_type3A_126 = arith.extui %lt3A_125 : i1 to i32
      %cond3A_127 = arith.constant 0 : i32
      %cond3A_128 = arith.cmpi ne, %convert_element_type3A_126, %cond3A_127 : i32
      scf.if %cond3A_128 {
        %dma_wait3A = arith.constant 4 : i32
        %dma_wait3A_129 = arith.constant 0 : i32
        %dma_wait3A_130 = arith.constant 0 : i32
        %dma_wait3A_131 = tpu.memref_slice %arg8[%dma_wait3A, %dma_wait3A_129, %dma_wait3A_130] : memref<5x80x64xf32, #tpu.memory_space<vmem>> -> memref<1x80x64xf32, #tpu.memory_space<vmem>>
        %dma_wait3A_132 = tpu.memref_squeeze %dma_wait3A_131 : memref<1x80x64xf32, #tpu.memory_space<vmem>> -> memref<80x64xf32, #tpu.memory_space<vmem>>
        %dma_wait3A_133 = arith.constant 0 : i32
        %dma_wait3A_134 = tpu.memref_slice %arg6[%add3A_123, %dma_wait3A_133] : memref<125x80xi32, #tpu.memory_space<vmem>> -> memref<1x80xi32, #tpu.memory_space<vmem>>
        %dma_wait3A_135 = tpu.memref_squeeze %dma_wait3A_134 : memref<1x80xi32, #tpu.memory_space<vmem>> -> memref<80xi32, #tpu.memory_space<vmem>>
        %dma_wait3A_136 = arith.constant 0 : i32
        %dma_wait3A_137 = arith.constant 0 : i32
        %dma_wait3A_138 = tpu.memref_slice %arg2[%dma_wait3A_136, %dma_wait3A_137] : memref<20000x64xf32, #tpu.memory_space<hbm>> -> memref<20000x64xf32, #tpu.memory_space<hbm>>
        tpu.wait_indirect_dma semaphore(%arg14 : memref<!tpu.dma_semaphore, #tpu.memory_space<semaphore_mem>>) src(%dma_wait3A_138 : memref<20000x64xf32, #tpu.memory_space<hbm>>) dst(%dma_wait3A_132 : memref<80x64xf32, #tpu.memory_space<vmem>>)
        %run_scoped3A_139 = arith.constant 4 : i32
        "tpu.region"() ({
          %run_scoped3A_147 = tpu.sem_alloc : memref<!tpu.dma_semaphore, #tpu.memory_space<semaphore_mem>>
          %dma_start3A_148 = arith.constant 0 : i32
          %dma_start3A_149 = arith.constant 0 : i32
          %dma_start3A_150 = tpu.memref_slice %arg8[%run_scoped3A_139, %dma_start3A_148, %dma_start3A_149] : memref<5x80x64xf32, #tpu.memory_space<vmem>> -> memref<1x80x64xf32, #tpu.memory_space<vmem>>
          %dma_start3A_151 = tpu.memref_squeeze %dma_start3A_150 : memref<1x80x64xf32, #tpu.memory_space<vmem>> -> memref<80x64xf32, #tpu.memory_space<vmem>>
          %dma_start3A_152 = arith.constant 0 : i32
          %dma_start3A_153 = tpu.memref_slice %arg7[%add3A_123, %dma_start3A_152] : memref<125x80xi32, #tpu.memory_space<vmem>> -> memref<1x80xi32, #tpu.memory_space<vmem>>
          %dma_start3A_154 = tpu.memref_squeeze %dma_start3A_153 : memref<1x80xi32, #tpu.memory_space<vmem>> -> memref<80xi32, #tpu.memory_space<vmem>>
          %dma_start3A_155 = arith.constant 0 : i32
          %dma_start3A_156 = arith.constant 0 : i32
          %dma_start3A_157 = tpu.memref_slice %arg9[%dma_start3A_155, %dma_start3A_156] : memref<10000x64xf32, #tpu.memory_space<vmem_shared>> -> memref<10000x64xf32, #tpu.memory_space<vmem_shared>>
          tpu.enqueue_indirect_dma source(%dma_start3A_151 : memref<80x64xf32, #tpu.memory_space<vmem>>) target(%dma_start3A_157 : memref<10000x64xf32, #tpu.memory_space<vmem_shared>>) offsets(%dma_start3A_154 : memref<80xi32, #tpu.memory_space<vmem>>) semaphore(%run_scoped3A_147 : memref<!tpu.dma_semaphore, #tpu.memory_space<semaphore_mem>>) {add = true}
          %dma_wait3A_158 = arith.constant 0 : i32
          %dma_wait3A_159 = arith.constant 0 : i32
          %dma_wait3A_160 = tpu.memref_slice %arg8[%run_scoped3A_139, %dma_wait3A_158, %dma_wait3A_159] : memref<5x80x64xf32, #tpu.memory_space<vmem>> -> memref<1x80x64xf32, #tpu.memory_space<vmem>>
          %dma_wait3A_161 = tpu.memref_squeeze %dma_wait3A_160 : memref<1x80x64xf32, #tpu.memory_space<vmem>> -> memref<80x64xf32, #tpu.memory_space<vmem>>
          %dma_wait3A_162 = arith.constant 0 : i32
          %dma_wait3A_163 = tpu.memref_slice %arg7[%add3A_123, %dma_wait3A_162] : memref<125x80xi32, #tpu.memory_space<vmem>> -> memref<1x80xi32, #tpu.memory_space<vmem>>
          %dma_wait3A_164 = tpu.memref_squeeze %dma_wait3A_163 : memref<1x80xi32, #tpu.memory_space<vmem>> -> memref<80xi32, #tpu.memory_space<vmem>>
          %dma_wait3A_165 = arith.constant 0 : i32
          %dma_wait3A_166 = arith.constant 0 : i32
          %dma_wait3A_167 = tpu.memref_slice %arg9[%dma_wait3A_165, %dma_wait3A_166] : memref<10000x64xf32, #tpu.memory_space<vmem_shared>> -> memref<10000x64xf32, #tpu.memory_space<vmem_shared>>
          tpu.wait_indirect_dma semaphore(%run_scoped3A_147 : memref<!tpu.dma_semaphore, #tpu.memory_space<semaphore_mem>>) src(%dma_wait3A_161 : memref<80x64xf32, #tpu.memory_space<vmem>>) dst(%dma_wait3A_167 : memref<10000x64xf32, #tpu.memory_space<vmem_shared>>)
          tpu.yield
        }) : () -> ()
        %add3A_140 = arith.constant 5 : i32
        %add3A_141 = arith.addi %add3A_123, %add3A_140 : i32
        %lt3A_142 = arith.constant 125 : i32
        %lt3A_143 = arith.cmpi slt, %add3A_141, %lt3A_142 : i32
        %convert_element_type3A_144 = arith.extui %lt3A_143 : i1 to i32
        %cond3A_145 = arith.constant 0 : i32
        %cond3A_146 = arith.cmpi ne, %convert_element_type3A_144, %cond3A_145 : i32
        scf.if %cond3A_146 {
          %add3A_147 = arith.constant 5 : i32
          %add3A_148 = arith.addi %add3A_123, %add3A_147 : i32
          %dma_start3A_149 = arith.constant 4 : i32
          %dma_start3A_150 = arith.constant 0 : i32
          %dma_start3A_151 = arith.constant 0 : i32
          %dma_start3A_152 = tpu.memref_slice %arg8[%dma_start3A_149, %dma_start3A_150, %dma_start3A_151] : memref<5x80x64xf32, #tpu.memory_space<vmem>> -> memref<1x80x64xf32, #tpu.memory_space<vmem>>
          %dma_start3A_153 = tpu.memref_squeeze %dma_start3A_152 : memref<1x80x64xf32, #tpu.memory_space<vmem>> -> memref<80x64xf32, #tpu.memory_space<vmem>>
          %dma_start3A_154 = arith.constant 0 : i32
          %dma_start3A_155 = tpu.memref_slice %arg6[%add3A_148, %dma_start3A_154] : memref<125x80xi32, #tpu.memory_space<vmem>> -> memref<1x80xi32, #tpu.memory_space<vmem>>
          %dma_start3A_156 = tpu.memref_squeeze %dma_start3A_155 : memref<1x80xi32, #tpu.memory_space<vmem>> -> memref<80xi32, #tpu.memory_space<vmem>>
          %dma_start3A_157 = arith.constant 0 : i32
          %dma_start3A_158 = arith.constant 0 : i32
          %dma_start3A_159 = tpu.memref_slice %arg2[%dma_start3A_157, %dma_start3A_158] : memref<20000x64xf32, #tpu.memory_space<hbm>> -> memref<20000x64xf32, #tpu.memory_space<hbm>>
          tpu.enqueue_indirect_dma source(%dma_start3A_159 : memref<20000x64xf32, #tpu.memory_space<hbm>>) target(%dma_start3A_153 : memref<80x64xf32, #tpu.memory_space<vmem>>) offsets(%dma_start3A_156 : memref<80xi32, #tpu.memory_space<vmem>>) semaphore(%arg14 : memref<!tpu.dma_semaphore, #tpu.memory_space<semaphore_mem>>)
        } else {
        }
      } else {
      }
    }
    %scan3A_71 = arith.constant 25 : i32
    %barrier3A_72 = arith.constant 0 : index
    tpu.barrier barrier_id(%barrier3A_72)
    %mul3A_73 = arith.constant 624 : i32
    %mul3A_74 = arith.muli %arg1, %mul3A_73 : i32
    %mul3A_75 = arith.constant 624 : i32
    %mul3A_76 = arith.muli %arg1, %mul3A_75 : i32
    %mul3A_77 = arith.constant 64 : i32
    %mul3A_78 = arith.muli %arg0, %mul3A_77 : i32
    "tpu.region"() ({
      %run_scoped3A_84 = tpu.sem_alloc : memref<!tpu.dma_semaphore, #tpu.memory_space<semaphore_mem>>
      %dma_start3A_85 = tpu.memref_slice %arg5[%mul3A_76, %mul3A_78] : memref<10000x128xf32, #tpu.memory_space<hbm>> -> memref<624x64xf32, #tpu.memory_space<hbm>>
      %dma_start3A_86 = arith.constant 0 : i32
      %dma_start3A_87 = tpu.memref_slice %arg9[%mul3A_74, %dma_start3A_86] : memref<10000x64xf32, #tpu.memory_space<vmem_shared>> -> memref<624x64xf32, #tpu.memory_space<vmem_shared>>
      tpu.enqueue_dma source(%dma_start3A_87 : memref<624x64xf32, #tpu.memory_space<vmem_shared>>) target(%dma_start3A_85 : memref<624x64xf32, #tpu.memory_space<hbm>>) target_semaphore(%run_scoped3A_84 : memref<!tpu.dma_semaphore, #tpu.memory_space<semaphore_mem>>)
      %dma_wait3A = tpu.memref_slice %arg5[%mul3A_76, %mul3A_78] : memref<10000x128xf32, #tpu.memory_space<hbm>> -> memref<624x64xf32, #tpu.memory_space<hbm>>
      %dma_wait3A_88 = arith.constant 0 : i32
      %dma_wait3A_89 = tpu.memref_slice %arg9[%mul3A_74, %dma_wait3A_88] : memref<10000x64xf32, #tpu.memory_space<vmem_shared>> -> memref<624x64xf32, #tpu.memory_space<vmem_shared>>
      tpu.wait_dma2 semaphore(%run_scoped3A_84 : memref<!tpu.dma_semaphore, #tpu.memory_space<semaphore_mem>>) src(%dma_wait3A_89 : memref<624x64xf32, #tpu.memory_space<vmem_shared>>) dst(%dma_wait3A : memref<624x64xf32, #tpu.memory_space<hbm>>)
      tpu.yield
    }) : () -> ()
    %eq3A_79 = arith.constant 15 : i32
    %eq3A_80 = arith.cmpi eq, %arg1, %eq3A_79 : i32
    %convert_element_type3A_81 = arith.extui %eq3A_80 : i1 to i32
    %cond3A_82 = arith.constant 0 : i32
    %cond3A_83 = arith.cmpi ne, %convert_element_type3A_81, %cond3A_82 : i32
    scf.if %cond3A_83 {
      %mul3A_84 = arith.constant 64 : i32
      %mul3A_85 = arith.muli %arg0, %mul3A_84 : i32
      "tpu.region"() ({
        %run_scoped3A_86 = tpu.sem_alloc : memref<!tpu.dma_semaphore, #tpu.memory_space<semaphore_mem>>
        %dma_start3A_87 = arith.constant 9984 : i32
        %dma_start3A_88 = tpu.memref_slice %arg5[%dma_start3A_87, %mul3A_85] : memref<10000x128xf32, #tpu.memory_space<hbm>> -> memref<16x64xf32, #tpu.memory_space<hbm>>
        %dma_start3A_89 = arith.constant 9984 : i32
        %dma_start3A_90 = arith.constant 0 : i32
        %dma_start3A_91 = tpu.memref_slice %arg9[%dma_start3A_89, %dma_start3A_90] : memref<10000x64xf32, #tpu.memory_space<vmem_shared>> -> memref<16x64xf32, #tpu.memory_space<vmem_shared>>
        tpu.enqueue_dma source(%dma_start3A_91 : memref<16x64xf32, #tpu.memory_space<vmem_shared>>) target(%dma_start3A_88 : memref<16x64xf32, #tpu.memory_space<hbm>>) target_semaphore(%run_scoped3A_86 : memref<!tpu.dma_semaphore, #tpu.memory_space<semaphore_mem>>)
        %dma_wait3A = arith.constant 9984 : i32
        %dma_wait3A_92 = tpu.memref_slice %arg5[%dma_wait3A, %mul3A_85] : memref<10000x128xf32, #tpu.memory_space<hbm>> -> memref<16x64xf32, #tpu.memory_space<hbm>>
        %dma_wait3A_93 = arith.constant 9984 : i32
        %dma_wait3A_94 = arith.constant 0 : i32
        %dma_wait3A_95 = tpu.memref_slice %arg9[%dma_wait3A_93, %dma_wait3A_94] : memref<10000x64xf32, #tpu.memory_space<vmem_shared>> -> memref<16x64xf32, #tpu.memory_space<vmem_shared>>
        tpu.wait_dma2 semaphore(%run_scoped3A_86 : memref<!tpu.dma_semaphore, #tpu.memory_space<semaphore_mem>>) src(%dma_wait3A_95 : memref<16x64xf32, #tpu.memory_space<vmem_shared>>) dst(%dma_wait3A_92 : memref<16x64xf32, #tpu.memory_space<hbm>>)
        tpu.yield
      }) : () -> ()
    } else {
    }
    return
  }
}

module attributes {stable_mosaic.version = 14 : i64} {
  func.func @_mm_kernel(%arg0: i32, %arg1: memref<5000x128xf32, #tpu.memory_space<vmem>>, %arg2: memref<128x64xf32, #tpu.memory_space<vmem>>, %arg3: memref<5000x128xf32, #tpu.memory_space<vmem>>) attributes {dimension_semantics = [#tpu.dimension_semantics<arbitrary>], iteration_bounds = array<i64: 2>, scalar_prefetch = 0 : i64, scratch_operands = 0 : i64, tpu.core_type = #tpu.core_type<tc>, window_params = [{transform_indices = @transform_0, window_bounds = array<i64: 5000, 128>}, {pipeline_mode = #tpu.pipeline_mode<synchronous>, transform_indices = @transform_1, window_bounds = array<i64: 128, 64>}, {transform_indices = @transform_2, window_bounds = array<i64: 5000, 128>}]} {
    %get3A = arith.constant 0 : index
    %get3A_0 = arith.constant 0 : index
    %get3A_1 = vector.load %arg1[%get3A, %get3A_0] : memref<5000x128xf32, #tpu.memory_space<vmem>>, vector<5000x128xf32>
    %get3A_2 = arith.constant 0 : index
    %get3A_3 = arith.constant 0 : index
    %get3A_4 = vector.load %arg2[%get3A_2, %get3A_3] : memref<128x64xf32, #tpu.memory_space<vmem>>, vector<128x64xf32>
    %dot_general3A = arith.constant dense<0.000000e+00> : vector<5000x64xf32>
    %dot_general3A_5 = tpu.matmul %get3A_1, %get3A_4, %dot_general3A {dimension_numbers = #tpu.dot_dimension_numbers<[1], [0], [0], [1], [0, 0, 1, 1], [], []>, transpose_lhs_hint = false} : vector<5000x128xf32>, vector<128x64xf32>, vector<5000x64xf32> -> vector<5000x64xf32>
    %broadcast_in_dim3A = arith.constant 0.000000e+00 : f32
    %broadcast_in_dim3A_6 = vector.broadcast %broadcast_in_dim3A : f32 to vector<5000x64xf32>
    %concatenate3A = tpu.concatenate %dot_general3A_5, %broadcast_in_dim3A_6 in 1 : vector<5000x64xf32>, vector<5000x64xf32> -> vector<5000x128xf32>
    %swap3A = arith.constant 0 : index
    %swap3A_7 = arith.constant 0 : index
    %swap3A_8 = vector.load %arg3[%swap3A, %swap3A_7] : memref<5000x128xf32, #tpu.memory_space<vmem>>, vector<5000x128xf32>
    tpu.vector_store %arg3[%swap3A, %swap3A_7], %concatenate3A {strides = array<i32>} : memref<5000x128xf32, #tpu.memory_space<vmem>>, vector<5000x128xf32>,
    return
  }
  func.func @transform_0(%arg0: i32) -> (i32, i32) {
    %c0_i32 = arith.constant 0 : i32
    %c0_i32_0 = arith.constant 0 : i32
    return %arg0, %c0_i32 : i32, i32
  }
  func.func @transform_1(%arg0: i32) -> (i32, i32) {
    %c0_i32 = arith.constant 0 : i32
    %c0_i32_0 = arith.constant 0 : i32
    %c0_i32_1 = arith.constant 0 : i32
    return %c0_i32, %c0_i32_0 : i32, i32
  }
  func.func @transform_2(%arg0: i32) -> (i32, i32) {
    %c0_i32 = arith.constant 0 : i32
    %c0_i32_0 = arith.constant 0 : i32
    return %arg0, %c0_i32 : i32, i32
  }
}

module attributes {stable_mosaic.version = 14 : i64} {
  func.func @_mid_kernel(%arg0: i32, %arg1: memref<5000x128xf32, #tpu.memory_space<vmem>>, %arg2: memref<5000x128xf32, #tpu.memory_space<vmem>>, %arg3: memref<1x1xf32, #tpu.memory_space<vmem>>, %arg4: memref<1x64xf32, #tpu.memory_space<vmem>>, %arg5: memref<64x64xf32, #tpu.memory_space<vmem>>, %arg6: memref<1x64xf32, #tpu.memory_space<vmem>>, %arg7: memref<64x64xf32, #tpu.memory_space<vmem>>, %arg8: memref<5000x128xf32, #tpu.memory_space<vmem>>) attributes {dimension_semantics = [#tpu.dimension_semantics<arbitrary>], iteration_bounds = array<i64: 2>, scalar_prefetch = 0 : i64, scratch_operands = 0 : i64, tpu.core_type = #tpu.core_type<tc>, window_params = [{transform_indices = @transform_0, window_bounds = array<i64: 5000, 128>}, {transform_indices = @transform_1, window_bounds = array<i64: 5000, 128>}, {pipeline_mode = #tpu.pipeline_mode<synchronous>, transform_indices = @transform_2, window_bounds = array<i64: 1, 1>}, {pipeline_mode = #tpu.pipeline_mode<synchronous>, transform_indices = @transform_3, window_bounds = array<i64: 1, 64>}, {pipeline_mode = #tpu.pipeline_mode<synchronous>, transform_indices = @transform_4, window_bounds = array<i64: 64, 64>}, {pipeline_mode = #tpu.pipeline_mode<synchronous>, transform_indices = @transform_5, window_bounds = array<i64: 1, 64>}, {pipeline_mode = #tpu.pipeline_mode<synchronous>, transform_indices = @transform_6, window_bounds = array<i64: 64, 64>}, {transform_indices = @transform_7, window_bounds = array<i64: 5000, 128>}]} {
    %get3A = arith.constant 0 : index
    %get3A_0 = arith.constant 0 : index
    %get3A_1 = vector.load %arg3[%get3A, %get3A_0] : memref<1x1xf32, #tpu.memory_space<vmem>>, vector<1x1xf32>
    %get3A_2 = vector.extract %get3A_1[0, 0] : f32 from vector<1x1xf32>
    %get3A_3 = arith.constant 0 : index
    %get3A_4 = arith.constant 0 : index
    %get3A_5 = vector.load %arg2[%get3A_3, %get3A_4] : memref<5000x128xf32, #tpu.memory_space<vmem>>, vector<5000x128xf32>
    %add3A = arith.constant 1.000000e+00 : f32
    %add3A_6 = arith.addf %add3A, %get3A_2 : f32
    %get3A_7 = arith.constant 0 : index
    %get3A_8 = arith.constant 0 : index
    %get3A_9 = vector.load %arg1[%get3A_7, %get3A_8] : memref<5000x128xf32, #tpu.memory_space<vmem>>, vector<5000x128xf32>
    %slice3A = vector.extract_strided_slice %get3A_9 {offsets = [0, 0], sizes = [5000, 64], strides = [1, 1]} : vector<5000x128xf32> to vector<5000x64xf32>
    %mul3A = vector.broadcast %add3A_6 : f32 to vector<5000x64xf32>
    %mul3A_10 = arith.mulf %mul3A, %slice3A : vector<5000x64xf32>
    %slice3A_11 = vector.extract_strided_slice %get3A_5 {offsets = [0, 0], sizes = [5000, 64], strides = [1, 1]} : vector<5000x128xf32> to vector<5000x64xf32>
    %add3A_12 = arith.addf %mul3A_10, %slice3A_11 : vector<5000x64xf32>
    %slice3A_13 = vector.extract_strided_slice %get3A_5 {offsets = [0, 64], sizes = [5000, 64], strides = [1, 1]} : vector<5000x128xf32> to vector<5000x64xf32>
    %add3A_14 = arith.addf %add3A_12, %slice3A_13 : vector<5000x64xf32>
    %get3A_15 = arith.constant 0 : index
    %get3A_16 = arith.constant 0 : index
    %get3A_17 = vector.load %arg4[%get3A_15, %get3A_16] : memref<1x64xf32, #tpu.memory_space<vmem>>, vector<1x64xf32>
    %add3A_18 = vector.broadcast %get3A_17 : vector<1x64xf32> to vector<5000x64xf32>
    %add3A_19 = arith.addf %add3A_14, %add3A_18 : vector<5000x64xf32>
    %max3A = arith.constant 0.000000e+00 : f32
    %max3A_20 = vector.broadcast %max3A : f32 to vector<5000x64xf32>
    %max3A_21 = arith.maximumf %add3A_19, %max3A_20 : vector<5000x64xf32>
    %get3A_22 = arith.constant 0 : index
    %get3A_23 = arith.constant 0 : index
    %get3A_24 = vector.load %arg5[%get3A_22, %get3A_23] : memref<64x64xf32, #tpu.memory_space<vmem>>, vector<64x64xf32>
    %dot_general3A = arith.constant dense<0.000000e+00> : vector<5000x64xf32>
    %dot_general3A_25 = tpu.matmul %max3A_21, %get3A_24, %dot_general3A {dimension_numbers = #tpu.dot_dimension_numbers<[1], [0], [0], [1], [0, 0, 1, 1], [], []>, transpose_lhs_hint = false} : vector<5000x64xf32>, vector<64x64xf32>, vector<5000x64xf32> -> vector<5000x64xf32>
    %get3A_26 = arith.constant 0 : index
    %get3A_27 = arith.constant 0 : index
    %get3A_28 = vector.load %arg6[%get3A_26, %get3A_27] : memref<1x64xf32, #tpu.memory_space<vmem>>, vector<1x64xf32>
    %add3A_29 = vector.broadcast %get3A_28 : vector<1x64xf32> to vector<5000x64xf32>
    %add3A_30 = arith.addf %dot_general3A_25, %add3A_29 : vector<5000x64xf32>
    %max3A_31 = arith.constant 0.000000e+00 : f32
    %max3A_32 = vector.broadcast %max3A_31 : f32 to vector<5000x64xf32>
    %max3A_33 = arith.maximumf %add3A_30, %max3A_32 : vector<5000x64xf32>
    %get3A_34 = arith.constant 0 : index
    %get3A_35 = arith.constant 0 : index
    %get3A_36 = vector.load %arg7[%get3A_34, %get3A_35] : memref<64x64xf32, #tpu.memory_space<vmem>>, vector<64x64xf32>
    %dot_general3A_37 = arith.constant dense<0.000000e+00> : vector<5000x64xf32>
    %dot_general3A_38 = tpu.matmul %max3A_33, %get3A_36, %dot_general3A_37 {dimension_numbers = #tpu.dot_dimension_numbers<[1], [0], [0], [1], [0, 0, 1, 1], [], []>, transpose_lhs_hint = false} : vector<5000x64xf32>, vector<64x64xf32>, vector<5000x64xf32> -> vector<5000x64xf32>
    %broadcast_in_dim3A = arith.constant 0.000000e+00 : f32
    %broadcast_in_dim3A_39 = vector.broadcast %broadcast_in_dim3A : f32 to vector<5000x64xf32>
    %concatenate3A = tpu.concatenate %dot_general3A_38, %broadcast_in_dim3A_39 in 1 : vector<5000x64xf32>, vector<5000x64xf32> -> vector<5000x128xf32>
    %swap3A = arith.constant 0 : index
    %swap3A_40 = arith.constant 0 : index
    %swap3A_41 = vector.load %arg8[%swap3A, %swap3A_40] : memref<5000x128xf32, #tpu.memory_space<vmem>>, vector<5000x128xf32>
    tpu.vector_store %arg8[%swap3A, %swap3A_40], %concatenate3A {strides = array<i32>} : memref<5000x128xf32, #tpu.memory_space<vmem>>, vector<5000x128xf32>,
    return
  }
  func.func @transform_0(%arg0: i32) -> (i32, i32) {
    %c0_i32 = arith.constant 0 : i32
    %c0_i32_0 = arith.constant 0 : i32
    return %arg0, %c0_i32 : i32, i32
  }
  func.func @transform_1(%arg0: i32) -> (i32, i32) {
    %c0_i32 = arith.constant 0 : i32
    %c0_i32_0 = arith.constant 0 : i32
    return %arg0, %c0_i32 : i32, i32
  }
  func.func @transform_2(%arg0: i32) -> (i32, i32) {
    %c0_i32 = arith.constant 0 : i32
    %c0_i32_0 = arith.constant 0 : i32
    %c0_i32_1 = arith.constant 0 : i32
    return %c0_i32, %c0_i32_0 : i32, i32
  }
  func.func @transform_3(%arg0: i32) -> (i32, i32) {
    %c0_i32 = arith.constant 0 : i32
    %c0_i32_0 = arith.constant 0 : i32
    %c0_i32_1 = arith.constant 0 : i32
    return %c0_i32, %c0_i32_0 : i32, i32
  }
  func.func @transform_4(%arg0: i32) -> (i32, i32) {
    %c0_i32 = arith.constant 0 : i32
    %c0_i32_0 = arith.constant 0 : i32
    %c0_i32_1 = arith.constant 0 : i32
    return %c0_i32, %c0_i32_0 : i32, i32
  }
  func.func @transform_5(%arg0: i32) -> (i32, i32) {
    %c0_i32 = arith.constant 0 : i32
    %c0_i32_0 = arith.constant 0 : i32
    %c0_i32_1 = arith.constant 0 : i32
    return %c0_i32, %c0_i32_0 : i32, i32
  }
  func.func @transform_6(%arg0: i32) -> (i32, i32) {
    %c0_i32 = arith.constant 0 : i32
    %c0_i32_0 = arith.constant 0 : i32
    %c0_i32_1 = arith.constant 0 : i32
    return %c0_i32, %c0_i32_0 : i32, i32
  }
  func.func @transform_7(%arg0: i32) -> (i32, i32) {
    %c0_i32 = arith.constant 0 : i32
    %c0_i32_0 = arith.constant 0 : i32
    return %arg0, %c0_i32 : i32, i32
  }
}

module attributes {stable_mosaic.version = 14 : i64} {
  func.func @_final_kernel(%arg0: i32, %arg1: memref<5000x128xf32, #tpu.memory_space<vmem>>, %arg2: memref<5000x128xf32, #tpu.memory_space<vmem>>, %arg3: memref<1x1xf32, #tpu.memory_space<vmem>>, %arg4: memref<1x64xf32, #tpu.memory_space<vmem>>, %arg5: memref<64x64xf32, #tpu.memory_space<vmem>>, %arg6: memref<1x64xf32, #tpu.memory_space<vmem>>, %arg7: memref<1x1x5000xi32, #tpu.memory_space<vmem>>, %arg8: memref<64x10xf32, #tpu.memory_space<vmem>>, %arg9: memref<1x10xf32, #tpu.memory_space<vmem>>, %arg10: memref<64x10xf32, #tpu.memory_space<vmem>>, %arg11: memref<64x64xf32, #tpu.memory_space<vmem>>) attributes {dimension_semantics = [#tpu.dimension_semantics<arbitrary>], iteration_bounds = array<i64: 2>, scalar_prefetch = 0 : i64, scratch_operands = 1 : i64, tpu.core_type = #tpu.core_type<tc>, window_params = [{transform_indices = @transform_0, window_bounds = array<i64: 5000, 128>}, {transform_indices = @transform_1, window_bounds = array<i64: 5000, 128>}, {pipeline_mode = #tpu.pipeline_mode<synchronous>, transform_indices = @transform_2, window_bounds = array<i64: 1, 1>}, {pipeline_mode = #tpu.pipeline_mode<synchronous>, transform_indices = @transform_3, window_bounds = array<i64: 1, 64>}, {pipeline_mode = #tpu.pipeline_mode<synchronous>, transform_indices = @transform_4, window_bounds = array<i64: 64, 64>}, {pipeline_mode = #tpu.pipeline_mode<synchronous>, transform_indices = @transform_5, window_bounds = array<i64: 1, 64>}, {transform_indices = @transform_6, window_bounds = array<i64: 1, 1, 5000>}, {pipeline_mode = #tpu.pipeline_mode<synchronous>, transform_indices = @transform_7, window_bounds = array<i64: 64, 10>}, {pipeline_mode = #tpu.pipeline_mode<synchronous>, transform_indices = @transform_8, window_bounds = array<i64: 1, 10>}, {pipeline_mode = #tpu.pipeline_mode<synchronous>, transform_indices = @transform_9, window_bounds = array<i64: 64, 10>}]} {
    %get3A = arith.constant 0 : index
    %get3A_0 = arith.constant 0 : index
    %get3A_1 = vector.load %arg3[%get3A, %get3A_0] : memref<1x1xf32, #tpu.memory_space<vmem>>, vector<1x1xf32>
    %get3A_2 = vector.extract %get3A_1[0, 0] : f32 from vector<1x1xf32>
    %get3A_3 = arith.constant 0 : index
    %get3A_4 = arith.constant 0 : index
    %get3A_5 = vector.load %arg2[%get3A_3, %get3A_4] : memref<5000x128xf32, #tpu.memory_space<vmem>>, vector<5000x128xf32>
    %add3A = arith.constant 1.000000e+00 : f32
    %add3A_6 = arith.addf %add3A, %get3A_2 : f32
    %get3A_7 = arith.constant 0 : index
    %get3A_8 = arith.constant 0 : index
    %get3A_9 = vector.load %arg1[%get3A_7, %get3A_8] : memref<5000x128xf32, #tpu.memory_space<vmem>>, vector<5000x128xf32>
    %slice3A = vector.extract_strided_slice %get3A_9 {offsets = [0, 0], sizes = [5000, 64], strides = [1, 1]} : vector<5000x128xf32> to vector<5000x64xf32>
    %mul3A = vector.broadcast %add3A_6 : f32 to vector<5000x64xf32>
    %mul3A_10 = arith.mulf %mul3A, %slice3A : vector<5000x64xf32>
    %slice3A_11 = vector.extract_strided_slice %get3A_5 {offsets = [0, 0], sizes = [5000, 64], strides = [1, 1]} : vector<5000x128xf32> to vector<5000x64xf32>
    %add3A_12 = arith.addf %mul3A_10, %slice3A_11 : vector<5000x64xf32>
    %slice3A_13 = vector.extract_strided_slice %get3A_5 {offsets = [0, 64], sizes = [5000, 64], strides = [1, 1]} : vector<5000x128xf32> to vector<5000x64xf32>
    %add3A_14 = arith.addf %add3A_12, %slice3A_13 : vector<5000x64xf32>
    %get3A_15 = arith.constant 0 : index
    %get3A_16 = arith.constant 0 : index
    %get3A_17 = vector.load %arg4[%get3A_15, %get3A_16] : memref<1x64xf32, #tpu.memory_space<vmem>>, vector<1x64xf32>
    %add3A_18 = vector.broadcast %get3A_17 : vector<1x64xf32> to vector<5000x64xf32>
    %add3A_19 = arith.addf %add3A_14, %add3A_18 : vector<5000x64xf32>
    %max3A = arith.constant 0.000000e+00 : f32
    %max3A_20 = vector.broadcast %max3A : f32 to vector<5000x64xf32>
    %max3A_21 = arith.maximumf %add3A_19, %max3A_20 : vector<5000x64xf32>
    %get3A_22 = arith.constant 0 : index
    %get3A_23 = arith.constant 0 : index
    %get3A_24 = vector.load %arg5[%get3A_22, %get3A_23] : memref<64x64xf32, #tpu.memory_space<vmem>>, vector<64x64xf32>
    %dot_general3A = arith.constant dense<0.000000e+00> : vector<5000x64xf32>
    %dot_general3A_25 = tpu.matmul %max3A_21, %get3A_24, %dot_general3A {dimension_numbers = #tpu.dot_dimension_numbers<[1], [0], [0], [1], [0, 0, 1, 1], [], []>, transpose_lhs_hint = false} : vector<5000x64xf32>, vector<64x64xf32>, vector<5000x64xf32> -> vector<5000x64xf32>
    %get3A_26 = arith.constant 0 : index
    %get3A_27 = arith.constant 0 : index
    %get3A_28 = vector.load %arg6[%get3A_26, %get3A_27] : memref<1x64xf32, #tpu.memory_space<vmem>>, vector<1x64xf32>
    %add3A_29 = vector.broadcast %get3A_28 : vector<1x64xf32> to vector<5000x64xf32>
    %add3A_30 = arith.addf %dot_general3A_25, %add3A_29 : vector<5000x64xf32>
    %max3A_31 = arith.constant 0.000000e+00 : f32
    %max3A_32 = vector.broadcast %max3A_31 : f32 to vector<5000x64xf32>
    %max3A_33 = arith.maximumf %add3A_30, %max3A_32 : vector<5000x64xf32>
    %iota3A = tpu.iota {dimensions = array<i32: 0>} : vector<64x5000xi32>
    %get3A_34 = arith.constant 0 : index
    %get3A_35 = arith.constant 0 : index
    %get3A_36 = arith.constant 0 : index
    %get3A_37 = vector.load %arg7[%get3A_34, %get3A_35, %get3A_36] : memref<1x1x5000xi32, #tpu.memory_space<vmem>>, vector<1x1x5000xi32>
    %get3A_38 = vector.shape_cast %get3A_37 : vector<1x1x5000xi32> to vector<1x5000xi32>
    %eq3A = vector.broadcast %get3A_38 : vector<1x5000xi32> to vector<64x5000xi32>
    %eq3A_39 = arith.cmpi eq, %iota3A, %eq3A : vector<64x5000xi32>
    %convert_element_type3A = arith.extui %eq3A_39 : vector<64x5000xi1> to vector<64x5000xi32>
    %convert_element_type3A_40 = arith.sitofp %convert_element_type3A : vector<64x5000xi32> to vector<64x5000xf32>
    %dot_general3A_41 = arith.constant dense<0.000000e+00> : vector<64x64xf32>
    %dot_general3A_42 = tpu.matmul %convert_element_type3A_40, %max3A_33, %dot_general3A_41 {dimension_numbers = #tpu.dot_dimension_numbers<[1], [0], [0], [1], [0, 0, 1, 1], [], []>, transpose_lhs_hint = false} : vector<64x5000xf32>, vector<5000x64xf32>, vector<64x64xf32> -> vector<64x64xf32>
    %eq3A_43 = arith.constant 0 : i32
    %eq3A_44 = arith.cmpi eq, %arg0, %eq3A_43 : i32
    %convert_element_type3A_45 = arith.extui %eq3A_44 : i1 to i32
    %cond3A = arith.constant 0 : i32
    %cond3A_46 = arith.cmpi ne, %convert_element_type3A_45, %cond3A : i32
    scf.if %cond3A_46 {
      %broadcast_in_dim3A = arith.constant 0.000000e+00 : f32
      %broadcast_in_dim3A_58 = vector.broadcast %broadcast_in_dim3A : f32 to vector<64x64xf32>
      %swap3A_59 = arith.constant 0 : index
      %swap3A_60 = arith.constant 0 : index
      %swap3A_61 = vector.load %arg11[%swap3A_59, %swap3A_60] : memref<64x64xf32, #tpu.memory_space<vmem>>, vector<64x64xf32>
      tpu.vector_store %arg11[%swap3A_59, %swap3A_60], %broadcast_in_dim3A_58 {strides = array<i32>} : memref<64x64xf32, #tpu.memory_space<vmem>>, vector<64x64xf32>,
    } else {
    }
    %get3A_47 = arith.constant 0 : index
    %get3A_48 = arith.constant 0 : index
    %get3A_49 = vector.load %arg11[%get3A_47, %get3A_48] : memref<64x64xf32, #tpu.memory_space<vmem>>, vector<64x64xf32>
    %add3A_50 = arith.addf %get3A_49, %dot_general3A_42 : vector<64x64xf32>
    %swap3A = arith.constant 0 : index
    %swap3A_51 = arith.constant 0 : index
    %swap3A_52 = vector.load %arg11[%swap3A, %swap3A_51] : memref<64x64xf32, #tpu.memory_space<vmem>>, vector<64x64xf32>
    tpu.vector_store %arg11[%swap3A, %swap3A_51], %add3A_50 {strides = array<i32>} : memref<64x64xf32, #tpu.memory_space<vmem>>, vector<64x64xf32>,
    %eq3A_53 = arith.constant 1 : i32
    %eq3A_54 = arith.cmpi eq, %arg0, %eq3A_53 : i32
    %convert_element_type3A_55 = arith.extui %eq3A_54 : i1 to i32
    %cond3A_56 = arith.constant 0 : i32
    %cond3A_57 = arith.cmpi ne, %convert_element_type3A_55, %cond3A_56 : i32
    scf.if %cond3A_57 {
      %get3A_58 = arith.constant 0 : index
      %get3A_59 = arith.constant 0 : index
      %get3A_60 = vector.load %arg11[%get3A_58, %get3A_59] : memref<64x64xf32, #tpu.memory_space<vmem>>, vector<64x64xf32>
      %get3A_61 = arith.constant 0 : index
      %get3A_62 = arith.constant 0 : index
      %get3A_63 = vector.load %arg8[%get3A_61, %get3A_62] : memref<64x10xf32, #tpu.memory_space<vmem>>, vector<64x10xf32>
      %dot_general3A_64 = arith.constant dense<0.000000e+00> : vector<64x10xf32>
      %dot_general3A_65 = tpu.matmul %get3A_60, %get3A_63, %dot_general3A_64 {dimension_numbers = #tpu.dot_dimension_numbers<[1], [0], [0], [1], [0, 0, 1, 1], [], []>, transpose_lhs_hint = false} : vector<64x64xf32>, vector<64x10xf32>, vector<64x10xf32> -> vector<64x10xf32>
      %get3A_66 = arith.constant 0 : index
      %get3A_67 = arith.constant 0 : index
      %get3A_68 = vector.load %arg9[%get3A_66, %get3A_67] : memref<1x10xf32, #tpu.memory_space<vmem>>, vector<1x10xf32>
      %add3A_69 = vector.broadcast %get3A_68 : vector<1x10xf32> to vector<64x10xf32>
      %add3A_70 = arith.addf %dot_general3A_65, %add3A_69 : vector<64x10xf32>
      %reduce_max3A = arith.constant dense<0xFF800000> : vector<64xf32>
      %reduce_max3A_71 = vector.multi_reduction <maximumf>, %add3A_70, %reduce_max3A [1] : vector<64x10xf32> to vector<64xf32>
      %broadcast_in_dim3A = vector.shape_cast %reduce_max3A_71 : vector<64xf32> to vector<64x1xf32>
      %sub3A = vector.broadcast %broadcast_in_dim3A : vector<64x1xf32> to vector<64x10xf32>
      %sub3A_72 = arith.subf %add3A_70, %sub3A : vector<64x10xf32>
      %exp3A = math.exp %sub3A_72 : vector<64x10xf32>
      %reduce_sum3A = arith.constant dense<0.000000e+00> : vector<64xf32>
      %reduce_sum3A_73 = vector.multi_reduction <add>, %exp3A, %reduce_sum3A [1] : vector<64x10xf32> to vector<64xf32>
      %broadcast_in_dim3A_74 = vector.shape_cast %reduce_sum3A_73 : vector<64xf32> to vector<64x1xf32>
      %log3A = math.log %broadcast_in_dim3A_74 : vector<64x1xf32>
      %sub3A_75 = vector.broadcast %log3A : vector<64x1xf32> to vector<64x10xf32>
      %sub3A_76 = arith.subf %sub3A_72, %sub3A_75 : vector<64x10xf32>
      %swap3A_77 = arith.constant 0 : index
      %swap3A_78 = arith.constant 0 : index
      %swap3A_79 = vector.load %arg10[%swap3A_77, %swap3A_78] : memref<64x10xf32, #tpu.memory_space<vmem>>, vector<64x10xf32>
      tpu.vector_store %arg10[%swap3A_77, %swap3A_78], %sub3A_76 {strides = array<i32>} : memref<64x10xf32, #tpu.memory_space<vmem>>, vector<64x10xf32>,
    } else {
    }
    return
  }
  func.func @transform_0(%arg0: i32) -> (i32, i32) {
    %c0_i32 = arith.constant 0 : i32
    %c0_i32_0 = arith.constant 0 : i32
    return %arg0, %c0_i32 : i32, i32
  }
  func.func @transform_1(%arg0: i32) -> (i32, i32) {
    %c0_i32 = arith.constant 0 : i32
    %c0_i32_0 = arith.constant 0 : i32
    return %arg0, %c0_i32 : i32, i32
  }
  func.func @transform_2(%arg0: i32) -> (i32, i32) {
    %c0_i32 = arith.constant 0 : i32
    %c0_i32_0 = arith.constant 0 : i32
    %c0_i32_1 = arith.constant 0 : i32
    return %c0_i32, %c0_i32_0 : i32, i32
  }
  func.func @transform_3(%arg0: i32) -> (i32, i32) {
    %c0_i32 = arith.constant 0 : i32
    %c0_i32_0 = arith.constant 0 : i32
    %c0_i32_1 = arith.constant 0 : i32
    return %c0_i32, %c0_i32_0 : i32, i32
  }
  func.func @transform_4(%arg0: i32) -> (i32, i32) {
    %c0_i32 = arith.constant 0 : i32
    %c0_i32_0 = arith.constant 0 : i32
    %c0_i32_1 = arith.constant 0 : i32
    return %c0_i32, %c0_i32_0 : i32, i32
  }
  func.func @transform_5(%arg0: i32) -> (i32, i32) {
    %c0_i32 = arith.constant 0 : i32
    %c0_i32_0 = arith.constant 0 : i32
    %c0_i32_1 = arith.constant 0 : i32
    return %c0_i32, %c0_i32_0 : i32, i32
  }
  func.func @transform_6(%arg0: i32) -> (i32, i32, i32) {
    %c0_i32 = arith.constant 0 : i32
    %c0_i32_0 = arith.constant 0 : i32
    %c0_i32_1 = arith.constant 0 : i32
    return %arg0, %c0_i32, %c0_i32_0 : i32, i32, i32
  }
  func.func @transform_7(%arg0: i32) -> (i32, i32) {
    %c0_i32 = arith.constant 0 : i32
    %c0_i32_0 = arith.constant 0 : i32
    %c0_i32_1 = arith.constant 0 : i32
    return %c0_i32, %c0_i32_0 : i32, i32
  }
  func.func @transform_8(%arg0: i32) -> (i32, i32) {
    %c0_i32 = arith.constant 0 : i32
    %c0_i32_0 = arith.constant 0 : i32
    %c0_i32_1 = arith.constant 0 : i32
    return %c0_i32, %c0_i32_0 : i32, i32
  }
  func.func @transform_9(%arg0: i32) -> (i32, i32) {
    %c0_i32 = arith.constant 0 : i32
    %c0_i32_0 = arith.constant 0 : i32
    %c0_i32_1 = arith.constant 0 : i32
    return %c0_i32, %c0_i32_0 : i32, i32
  }
}

</mosaic_0001>

<sc_bundles>
// kernel: kernel.10.cloned.1.call-start
scs
__scs_entry_jumppad:
0x0: {  	(pc) =	sbr.rel $0x88, $3  }
0x1: {  	(tag) =	ssettag $0x0;
	lr =	simm.s32 $0x1  }
0x2: {  	[smem:$0x3F92] =	sst lr;
	_ =	strace $0xD0000000  }
0x3: {  	_ = 	snop  }
0x4: {  	_ = 	snop  }
0x5: {  	_ = 	snop  }
0x6: {  	_ = 	snop  }
0x7: {  	_ = 	snop  }
__scs_overlays_trampoline_lowered:
0x8: {  	[smem:$0x3FA1] =	sst s0  }
0x9: {  	[smem:$0x3FA2] =	sst s1  }
0xa: {  	[smem:$0x3FA3] =	sst s2  }
0xb: {  	[smem:$0x3FA4] =	sst s3  }
0xc: {  	[smem:$0x3FA5] =	sst s4  }
0xd: {  	[smem:$0x3FA6] =	sst s5  }
0xe: {  	[smem:$0x3FA7] =	sst s6  }
0xf: {  	[smem:$0x3FA8] =	sst s7  }
0x10: {  	[smem:$0x3FA9] =	sst s8  }
0x11: {  	[smem:$0x3FAA] =	sst s9;
	s0 =	simm.s32 @!p0 $0x0  }
0x12: {  	s1 =	sld [smem:$0x3F90];
	s0 =	simm.s32 @p0 $0x1  }
0x13: {  	[smem:$0x3FAB] =	sst s0;
	s0 =	simm.s32 @!p1 $0x0  }
0x14: {  	s2 =	sld [smem:$0x3F8F];
	s0 =	simm.s32 @p1 $0x1  }
0x15: {  	[smem:$0x3FAC] =	sst s0;
	s0 =	simm.s32 @!p2 $0x0  }
0x16: {  	s3 =	sld [smem:$0x3FDB];
	s0 =	simm.s32 @p2 $0x1  }
0x17: {  	s4 =	simm.s32 $0x1BF5;
	[smem:$0x3FAE] =	sst s0  }
0x18: {  	s0 =	sld [smem:$0x3F91];
	_ =	swait.ge [sflag:s4], $0x0  }
0x19: {  	s7 =	sld [smem:$0x3F92]  }
0x1a: {  	s8 =	sadd.s32 $0xFFFFE003, lr  }
0x1b: {  	s9 =	sadd.s32 $0xFFFFFEF7, lr;
	s5 =	simm.s32 $0xFFFFFFFF;
	p2 =	slt.u32 s8, $0xFFFFF086  }
0x1c: {  	p1 =	slt.u32 s9, $0xF7A;
	s5 =	simm.s32 @!p2 $0x0  }
0x1d: {  	s5 =	simm.s32 @p1 $0x1;
	p0 =	seq.s32 s7, s2  }
0x1e: {  	s7 =	smul.u32 @!p0 $0xF7A, s2;
	p2 =	seq.s32 @!p0 s5, $0x0  }
0x1f: {  	s9 =	smul.u32 $0xF7A, s1;
	s8 =	simm.s32 @!p0 $0x1BF5;
	p2 =	por !p2, p0  }
0x20: {  	[sflag:s8] =	ssyncset.s32 @!p0 $0xFFFFF086;
	s6 =	sadd.s32 @!p0 s3, s7;
	s7 =	simm.s32 @!p0 $0x108  }
0x21: {  	s3 =	sadd.s32 s3, s9;
	s6 =	sadd.s32 @!p0 $0x88, s6;
	s7 =	simm.s32 @p2 $0x1082  }
0x22: {  	[simem:s7], [sflag:s8] =	dma.local @!p0 [hbm:s6], $0xF7A  }
0x23: {  	s9 =	sor.u32 $0xD0000000, s2;
	s6 =	simm.s32 $0x108;
	_ =	swait.ge @!p0 [sflag:s8], $0x0  }
0x24: {  	s3 =	sadd.s32 $0x88, s3;
	s6 =	simm.s32 @!p1 $0x1082;
	[sflag:s4] =	ssyncset.s32 $0xFFFFF086  }
0x25: {  	[simem:s6], [sflag:s4] =	dma.local [hbm:s3], $0xF7A  }
0x26: {  	[smem:$0x3F92] =	sst s1;
	(tag) =	ssettag s2;
	_ =	strace s9  }
0x27: {  	s1 =	sld [smem:$0x3FA2]  }
0x28: {  	s2 =	sld [smem:$0x3FA3]  }
0x29: {  	s4 =	sld [smem:$0x3FA5]  }
0x2a: {  	p0 =	seq.s32 s5, $0x0;
	s5 =	sld [smem:$0x3FA6]  }
0x2b: {  	s6 =	sld [smem:$0x3FA7]  }
0x2c: {  	s7 =	sld [smem:$0x3FA8]  }
0x2d: {  	s3 =	simm.s32 $0x108;
	s8 =	sld [smem:$0x3FA9]  }
0x2e: {  	s3 =	simm.s32 @!p0 $0x1082;
	s9 =	sld [smem:$0x3FAA]  }
0x2f: {  	lr =	sadd.s32 s0, s3;
	s0 =	sld [smem:$0x3FA1]  }
0x30: {  	s3 =	sld [smem:$0x3FA4]  }
0x31: {  	[smem:$0x3FAD] =	sst s10  }
0x32: {  	s10 =	sld [smem:$0x3FAB];
	_ =	sdelay $0x3  }
0x33: {  	p0 =	seq.s32 s10, $0x1;
	s10 =	sld [smem:$0x3FAD];
	_ =	sdelay $0x3  }
0x34: {  	[smem:$0x3FAD] =	sst s10  }
0x35: {  	s10 =	sld [smem:$0x3FAC];
	_ =	sdelay $0x3  }
0x36: {  	p1 =	seq.s32 s10, $0x1;
	s10 =	sld [smem:$0x3FAD];
	_ =	sdelay $0x3  }
0x37: {  	[smem:$0x3FAD] =	sst s10  }
0x38: {  	s10 =	sld [smem:$0x3FAE]  }
0x39: {  	_ = 	snop;
	(pc) =	sbr.ind lr, $3  }
0x3a: {  	_ = 	snop  }
0x3b: {  	_ = 	snop  }
0x3c: {  	p2 =	seq.s32 s10, $0x1;
	s10 =	sld [smem:$0x3FAD]  }
0x3d: {  	_ =	shalt  }
0x3e: {  	_ =	shalt  }
0x3f: {  	_ =	shalt  }
0x40: {  	_ =	shalt  }
0x41: {  	_ =	shalt  }
0x42: {  	_ =	shalt  }
0x43: {  	_ =	shalt  }
0x44: {  	_ =	shalt  }
0x45: {  	_ =	shalt  }
0x46: {  	_ =	shalt  }
0x47: {  	_ =	shalt  }
0x48: {  	_ =	shalt  }
0x49: {  	_ =	shalt  }
0x4a: {  	_ =	shalt  }
0x4b: {  	_ =	shalt  }
0x4c: {  	_ =	shalt  }
0x4d: {  	_ =	shalt  }
0x4e: {  	_ =	shalt  }
0x4f: {  	_ =	shalt  }
0x50: {  	_ =	shalt  }
0x51: {  	_ =	shalt  }
0x52: {  	_ =	shalt  }
0x53: {  	_ =	shalt  }
0x54: {  	_ =	shalt  }
0x55: {  	_ =	shalt  }
0x56: {  	_ =	shalt  }
0x57: {  	_ =	shalt  }
0x58: {  	_ =	shalt  }
0x59: {  	_ =	shalt  }
0x5a: {  	_ =	shalt  }
0x5b: {  	_ =	shalt  }
0x5c: {  	_ =	shalt  }
0x5d: {  	_ =	shalt  }
0x5e: {  	_ =	shalt  }
0x5f: {  	_ =	shalt  }
0x60: {  	_ =	shalt  }
0x61: {  	_ =	shalt  }
0x62: {  	_ =	shalt  }
0x63: {  	_ =	shalt  }
0x64: {  	_ =	shalt  }
0x65: {  	_ =	shalt  }
0x66: {  	_ =	shalt  }
0x67: {  	_ =	shalt  }
0x68: {  	_ =	shalt  }
0x69: {  	_ =	shalt  }
0x6a: {  	_ =	shalt  }
0x6b: {  	_ =	shalt  }
0x6c: {  	_ =	shalt  }
0x6d: {  	_ =	shalt  }
0x6e: {  	_ =	shalt  }
0x6f: {  	_ =	shalt  }
0x70: {  	_ =	shalt  }
0x71: {  	_ =	shalt  }
0x72: {  	_ =	shalt  }
0x73: {  	_ =	shalt  }
0x74: {  	_ =	shalt  }
0x75: {  	_ =	shalt  }
0x76: {  	_ =	shalt  }
0x77: {  	_ =	shalt  }
0x78: {  	_ =	shalt  }
0x79: {  	_ =	shalt  }
0x7a: {  	_ =	shalt  }
0x7b: {  	_ =	shalt  }
0x7c: {  	_ =	shalt  }
0x7d: {  	_ =	shalt  }
0x7e: {  	_ =	shalt  }
0x7f: {  	_ =	shalt  }
0x80: {  	_ =	shalt  }
0x81: {  	_ =	shalt  }
0x82: {  	_ =	shalt  }
0x83: {  	_ =	shalt  }
0x84: {  	_ =	shalt  }
0x85: {  	_ =	shalt  }
0x86: {  	_ =	shalt  }
0x87: {  	_ =	shalt  }
.Lfunc_end0:
.L_simem_size_0:
called_computation.1_lowered:
.L_overlay_start_0:
0x88: {  	s2 =	sld [smem:$0x3FD9]  }
0x89: {  	s3 =	sld [smem:$0x3FFE];
	_ =	sdelay $0x1  }
0x8a: {  	s1 =	srdreg.scid  }
0x8b: {  	s0 =	sand.u32 $0x1, s1  }
0x8c: {  	s16 =	sshll.u32 s0, $0xA;
	s2 =	sadd.s32 s3, s2  }
0x8d: {  	s2 =	sadd.s32 s2, s16  }
0x8e: {  	[smem:$0x3FB9] =	sst s2  }
0x8f: {  	_ = 	snop  }
0x90: {  	(tm) =	ssettm $0x1  }
0x91: {  	s17 =	sld [smem:$0x3FFB];
	_ =	sdelay $0x3  }
0x92: {  	_ =	strace s17  }
0x93: {  	s2 =	sld [smem:$0x3FFC];
	_ =	sdelay $0x3  }
0x94: {  	_ =	strace s2  }
0x95: {  	s2 =	sld [smem:$0x3FFD];
	_ =	sdelay $0x3  }
0x96: {  	_ =	strace s2  }
0x97: {  	_ =	strace $0x8FFFFFFF  }
0x98: {  	s18 =	sld [smem:$0x3FDB];
	_ =	sdelay $0x1  }
0x99: {  	s19 =	simm.s32 $_scs_section_size  }
0x9a: {  	s4 =	simm.s32 $_size__tile_overlayer_lowered;
	s5 =	simm.s32 $_tile_overlayer_lowered  }
0x9b: {  	s22 =	simm.s32 $0x1BFF;
	s21 =	sshll.u32 s5, $0x1;
	s2 =	sadd.s32 s19, s18  }
0x9c: {  	s6 =	simm.s32 $0x0;
	s20 =	sshll.u32 s4, $0x1;
	s4 =	sadd.s32 s21, s2  }
0x9d: {  	[timem:s6], [sflag:s22] =	dma.local [hbm:s4], s20  }
0x9e: {  	_ =	swait.ge [sflag:s22], s20  }
0x9f: {  	s3 =	ssub.s32 $0x0, s20;
	[sflag:s22] =	ssyncset.done $0x0  }
0xa0: {  	[sflag:s22] =	ssyncadd.s32 s3;
	_ =	sdelay $0x1  }
0xa1: {  	s23 =	simm.s32 $0x1B8B  }
0xa2: {  	_ =	swait.ge [sflag:s23], $0x1  }
0xa3: {  	[sflag:s23] =	ssyncset.done $0x0  }
0xa4: {  	s25 =	simm.s32 $0x1B8E;
	s24 =	sld [smem:$0x3FFE];
	[sflag:s23] =	ssyncadd.s32 $0xFFFFFFFF  }
0xa5: {  	s26 =	simm.s32 $execute0_lowered;
	[smem:$0x3FD2] =	sst s25  }
0xa6: {  	s4 =	sshll.u32 s26, $0x1;
	_ =	strace $0x80000049;
	[dreg:$0x1] =	wrdreg $0xFFFFFFFF  }
0xa7: {  	s28 =	simm.s32 $_size_execute0_lowered;
	s2 =	sadd.s32 s2, s4;
	[dreg:$0x0] =	wrdreg $0x0  }
0xa8: {  	s4 =	sshll.u32 s28, $0x1;
	[dreg:$0x2] =	wrdreg s2  }
0xa9: {  	[dreg:$0x3] =	wrdreg s4  }
0xaa: {  	[dreg:$0x4] =	wrdreg $0xC0  }
0xab: {  	_ =	task [dreg:s6], $0x5FFFF  }
0xac: {  	[dreg:$0x1] =	wrdreg $0xFFFFFFFF  }
0xad: {  	[dreg:$0x0] =	wrdreg $0x60  }
0xae: {  	[dreg:$0x2] =	wrdreg s24  }
0xaf: {  	[dreg:$0x3] =	wrdreg $0xB2200  }
0xb0: {  	[dreg:$0x4] =	wrdreg $0x9  }
0xb1: {  	_ =	task.clear_ibuf [dreg:s6], $0x5FFFF;
	_ =	strace $0x90000049  }
0xb2: {  	s29 =	simm.s32 $0x9;
	_ =	strace $0x8000004B  }
0xb3: {  	_ =	swait.ge [sflag:s29], $0x1  }
0xb4: {  	[sflag:s29] =	ssyncadd.s32 $0xFFFFFFFF  }
0xb5: {  	_ =	strace $0x9000004B  }
0xb6: {  	_ =	sfence  }
0xb7: {  	s30 =	sld [smem:$0x0];
	_ =	sdelay $0x2  }
0xb8: {  	s31 =	sshll.u32 s1, $0xD;
	s1 =	sshrl.u32 s1, $0x2  }
0xb9: {  	s3 =	sand.u32 $0x4000, s31;
	s1 =	sadd.s32 s1, s30  }
0xba: {  	s0 =	sor.u32 s3, s0;
	s1 =	sshll.u32 s1, $0x11  }
0xbb: {  	s0 =	sor.u32 s1, s0  }
0xbc: {  	s0 =	sadd.s32 $0x8F2B, s0  }
0xbd: {  	[sflag:s0] =	ssyncadd.remote.s32 $0x1  }
0xbe: {  	_ =	sfence.sel $0xFFFF  }
0xbf: {  	[dreg:$0x0] =	wrdreg $0xFFFFFFFF;
	(pc) =	sbr.abs _section_cstart, $3  }
0xc0: {  	[dreg:$0x1] =	wrdreg $0xFFFFFFFF  }
0xc1: {  	_ =	task.clear_ibuf [dreg:s6], $0x2FFFF;
	_ =	strace $0x9FFFFFFF  }
0xc2: {  	(tm) =	ssettm $0x7FFFFFFF  }
0xc3: {  	_ =	shalt  }
tec
execute0_lowered:
.L_overlay_start_1:
0x0: {  	(tag) =	ssettag $0x1  }
0x1: {  	s0 =	srdreg.scid;
	s1 =	rddreg [dreg:$0x0]  }
0x2: {  	s14 =	stileid.u32;
	s2 =	rddreg [dreg:$0x1];
	s17 =	simm.s32 $0x50  }
0x3: {  	s18 =	simm.s32 $0x4E20;
	s19 =	simm.s32 $0x6220;
	s21 =	simm.s32 $0x7620  }
0x4: {  	s23 =	simm.s32 $0x8A20;
	s28 =	simm.s32 $0x2;
	s29 =	simm.s32 $0x3  }
0x5: {  	s30 =	simm.s32 $0x4;
	s31 =	simm.s32 $0x5;
	s0 =	sand.u32 $0x1, s0  }
0x6: {  	s6 =	smul.u32 $0x9C00, s14;
	s10 =	sadd.s32 $0x51C00, s1;
	s25 =	sshll.u32 s14, $0x6  }
0x7: {  	s11 =	smul.u32 $0x13800, s14;
	s15 =	sadd.s32 $0x9C000, s2;
	p0 =	sne.s32 s14, $0xF  }
0x8: {  	s3 =	sshll.u32 s0, $0x4;
	s7 =	ssub.s32 $0x2, s0;
	s26 =	sshll.u32 s0, $0x6  }
0x9: {  	s0 =	sshll.u32 s0, $0x3;
	s15 =	sshrl.u32 @!p0 s15, $0x3;
	s4 =	sor.u32 s14, s3  }
0xa: {  	s3 =	simm.s32 $0x0;
	s24 =	sshrl.u32 s6, $0x3;
	s8 =	sshrl.u32 s7, $0x1  }
0xb: {  	s13 =	sadd.s32 s6, s2;
	s6 =	sor.u32 $0x1C06, s25;
	s0 =	sadd.s32 s0, s10  }
0xc: {  	s14 =	simm.s32 $0x6;
	s25 =	simm.s32 $0x9E20;
	s5 =	smul.u32 $0x2710, s4  }
0xd: {  	[smem:$0x7FF] =	sst s3;
	s4 =	sadd.s32 $0x17000, s1;
	s12 =	ssub.s32 s7, s8  }
0xe: {  	s7 =	sadd.s32 $0x51A00, s1;
	s13 =	sshrl.u32 s13, $0x3;
	s5 =	sshrl.u32 s5, $0x3  }
0xf: {  	_ =	strace $0x8000004A;
	s12 =	smax.u32 s12, $0x1;
	s9 =	sadd.s32 s5, s1  }
0x10: {  	s5 =	sadd.s32 s24, s1;
	s1 =	sor.u32 s26, s11;
	s11 =	sadd.s32 $0x27000, s0  }
0x11: {  	s26 =	simm.s32 $0x1;
	s24 =	simm.s32 $0x10;
	s0 =	simm.s32 $0x0  }
0x12: {  	s5 =	sadd.s32 $0x3E200, s5;
	s8 =	sadd.s32 $0x3600, s9;
	s1 =	sshrl.u32 s1, $0x3  }
0x13: {  	s9 =	sadd.s32 $0xD240, s9;
	s10 =	sadd.s32 s10, s1;
	s1 =	simm.s32 $0x8  }
.LBB2_1:
0x14: {  	[spmem:s13], [sflag:s6] =	dma.local [hbm:s5], $0x1380  }
0x15: {  	_ =	swait.ge [sflag:s14], $0x1380  }
0x16: {  	[sflag:s14] =	ssyncset.done $0x0  }
0x17: {  	s16 =	simm.s32 @!p0 $0x6;
	[sflag:s14] =	ssyncadd.s32 $0xFFFFEC80  }
0x18: {  	[spmem:s15], [sflag:s6] =	dma.local @!p0 [hbm:s7], $0x80  }
0x19: {  	_ =	swait.ge @!p0 [sflag:s16], $0x80  }
0x1a: {  	[sflag:s16] =	ssyncset.done @!p0 $0x0  }
0x1b: {  	[sflag:s16] =	ssyncadd.s32 @!p0 $0xFFFFFF80  }
0x1c: {  	[tilespmem:s3], [sflag:$0x6] =	stream.linear.gather [hbm4b:s8+s3], $0x2710, $0x38;
	[tilespmem:$0x14E60] =	vst v63  }
0x1d: {  	_ =	swait.ge [sflag:s14], $0x2710  }
0x1e: {  	[sflag:s14] =	ssyncset.done $0x0  }
0x1f: {  	s22 =	simm.s32 $0x2710;
	[sflag:s14] =	ssyncadd.s32 $0xFFFFD8F0  }
0x20: {  	[tilespmem:s22], [sflag:$0x6] =	stream.linear.gather [hbm4b:s9+s3], $0x2710, $0x38;
	[tilespmem:$0x14E60] =	vst v63  }
0x21: {  	_ =	swait.ge [sflag:s14], $0x2710  }
0x22: {  	[sflag:s14] =	ssyncset.done $0x0  }
0x23: {  	[sflag:s14] =	ssyncadd.s32 $0xFFFFD8F0  }
0x24: {  	[bflag:$0x0] =	sbarrier.arrive $0xFFFF  }
0x25: {  	[tilespmem:s18], [sflag:$0x1] =	stream.indirect.gather [hbm4b:s4+s17], $0x40, s3, s17, $0xb8;
	[tilespmem:$0x14E60] =	vst v63  }
0x26: {  	_ = 	snop  }
0x27: {  	[tilespmem:s19], [sflag:$0x2] =	stream.indirect.gather [hbm4b:s4+s17], $0x40, s17, s17, $0xb8;
	[tilespmem:$0x14E60] =	vst v63  }
0x28: {  	s20 =	simm.s32 $0xA0  }
0x29: {  	[tilespmem:s21], [sflag:$0x3] =	stream.indirect.gather [hbm4b:s4+s17], $0x40, s20, s17, $0xb8;
	[tilespmem:$0x14E60] =	vst v63  }
0x2a: {  	s22 =	simm.s32 $0xF0  }
0x2b: {  	[tilespmem:s23], [sflag:$0x4] =	stream.indirect.gather [hbm4b:s4+s17], $0x40, s22, s17, $0xb8;
	[tilespmem:$0x14E60] =	vst v63  }
0x2c: {  	s20 =	simm.s32 $0x140  }
0x2d: {  	[tilespmem:s25], [sflag:$0x5] =	stream.indirect.gather [hbm4b:s4+s17], $0x40, s20, s17, $0xb8;
	[tilespmem:$0x14E60] =	vst v63  }
0x2e: {  	_ =	swait.ge [sflag:s26], $0x1400  }
0x2f: {  	[sflag:s26] =	ssyncset.done $0x0  }
0x30: {  	s22 =	simm.s32 $0x2710;
	[sflag:s26] =	ssyncadd.s32 $0xFFFFEC00  }
0x31: {  	[spmem:s2] =	stream.indirect.scatter.add.f32 [tilespmem:s18], [sflag:$0x6], $0x40, s22, s17, $0xb8;
	[tilespmem:$0x14E60] =	vst v63  }
0x32: {  	_ =	swait.ge [sflag:s14], $0x1400  }
0x33: {  	[sflag:s14] =	ssyncset.done $0x0  }
0x34: {  	s20 =	simm.s32 $0x190;
	[sflag:s14] =	ssyncadd.s32 $0xFFFFEC00  }
0x35: {  	[tilespmem:s18], [sflag:$0x1] =	stream.indirect.gather [hbm4b:s4+s17], $0x40, s20, s17, $0xb8;
	[tilespmem:$0x14E60] =	vst v63  }
0x36: {  	_ =	swait.ge [sflag:s28], $0x1400  }
0x37: {  	[sflag:s28] =	ssyncset.done $0x0  }
0x38: {  	s22 =	simm.s32 $0x2760;
	[sflag:s28] =	ssyncadd.s32 $0xFFFFEC00  }
0x39: {  	[spmem:s2] =	stream.indirect.scatter.add.f32 [tilespmem:s19], [sflag:$0x6], $0x40, s22, s17, $0xb8;
	[tilespmem:$0x14E60] =	vst v63  }
0x3a: {  	_ =	swait.ge [sflag:s14], $0x1400  }
0x3b: {  	[sflag:s14] =	ssyncset.done $0x0  }
0x3c: {  	s20 =	simm.s32 $0x1E0;
	[sflag:s14] =	ssyncadd.s32 $0xFFFFEC00  }
0x3d: {  	[tilespmem:s19], [sflag:$0x2] =	stream.indirect.gather [hbm4b:s4+s17], $0x40, s20, s17, $0xb8;
	[tilespmem:$0x14E60] =	vst v63  }
0x3e: {  	_ =	swait.ge [sflag:s29], $0x1400  }
0x3f: {  	[sflag:s29] =	ssyncset.done $0x0  }
0x40: {  	s22 =	simm.s32 $0x27B0;
	[sflag:s29] =	ssyncadd.s32 $0xFFFFEC00  }
0x41: {  	[spmem:s2] =	stream.indirect.scatter.add.f32 [tilespmem:s21], [sflag:$0x6], $0x40, s22, s17, $0xb8;
	[tilespmem:$0x14E60] =	vst v63  }
0x42: {  	_ =	swait.ge [sflag:s14], $0x1400  }
0x43: {  	[sflag:s14] =	ssyncset.done $0x0  }
0x44: {  	s20 =	simm.s32 $0x230;
	[sflag:s14] =	ssyncadd.s32 $0xFFFFEC00  }
0x45: {  	[tilespmem:s21], [sflag:$0x3] =	stream.indirect.gather [hbm4b:s4+s17], $0x40, s20, s17, $0xb8;
	[tilespmem:$0x14E60] =	vst v63  }
0x46: {  	_ =	swait.ge [sflag:s30], $0x1400  }
0x47: {  	[sflag:s30] =	ssyncset.done $0x0  }
0x48: {  	s22 =	simm.s32 $0x2800;
	[sflag:s30] =	ssyncadd.s32 $0xFFFFEC00  }
0x49: {  	[spmem:s2] =	stream.indirect.scatter.add.f32 [tilespmem:s23], [sflag:$0x6], $0x40, s22, s17, $0xb8;
	[tilespmem:$0x14E60] =	vst v63  }
0x4a: {  	_ =	swait.ge [sflag:s14], $0x1400  }
0x4b: {  	[sflag:s14] =	ssyncset.done $0x0  }
0x4c: {  	s20 =	simm.s32 $0x280;
	[sflag:s14] =	ssyncadd.s32 $0xFFFFEC00  }
0x4d: {  	[tilespmem:s23], [sflag:$0x4] =	stream.indirect.gather [hbm4b:s4+s17], $0x40, s20, s17, $0xb8;
	[tilespmem:$0x14E60] =	vst v63  }
0x4e: {  	_ =	swait.ge [sflag:s31], $0x1400  }
0x4f: {  	[sflag:s31] =	ssyncset.done $0x0  }
0x50: {  	s22 =	simm.s32 $0x2850;
	[sflag:s31] =	ssyncadd.s32 $0xFFFFEC00  }
0x51: {  	[spmem:s2] =	stream.indirect.scatter.add.f32 [tilespmem:s25], [sflag:$0x6], $0x40, s22, s17, $0xb8;
	[tilespmem:$0x14E60] =	vst v63  }
0x52: {  	_ =	swait.ge [sflag:s14], $0x1400  }
0x53: {  	[sflag:s14] =	ssyncset.done $0x0  }
0x54: {  	s16 =	simm.s32 $0x640;
	s20 =	simm.s32 $0x2D0;
	[sflag:s14] =	ssyncadd.s32 $0xFFFFEC00  }
.LBB2_2:
0x55: {  	[tilespmem:s25], [sflag:$0x5] =	stream.indirect.gather [hbm4b:s4+s17], $0x40, s20, s17, $0xb8;
	[tilespmem:$0x14E60] =	vst v63  }
0x56: {  	s20 =	smov.u32 s16  }
0x57: {  	p1 =	sne.s32 s16, $0x8FC0;
	s16 =	sadd.s32 $0x640, s16;
	_ =	swait.ge [sflag:s26], $0x1400  }
0x58: {  	s20 =	sshra.s32 s20, $0x2;
	[sflag:s26] =	ssyncset.done $0x0  }
0x59: {  	s22 =	sadd.s32 $0x2710, s20;
	[sflag:s26] =	ssyncadd.s32 $0xFFFFEC00  }
0x5a: {  	[spmem:s2] =	stream.indirect.scatter.add.f32 [tilespmem:s18], [sflag:$0x6], $0x40, s22, s17, $0xb8;
	[tilespmem:$0x14E60] =	vst v63  }
0x5b: {  	_ =	swait.ge [sflag:s14], $0x1400  }
0x5c: {  	[sflag:s14] =	ssyncset.done $0x0  }
0x5d: {  	s22 =	sadd.s32 $0x190, s20;
	[sflag:s14] =	ssyncadd.s32 $0xFFFFEC00  }
0x5e: {  	[tilespmem:s18], [sflag:$0x1] =	stream.indirect.gather [hbm4b:s4+s17], $0x40, s22, s17, $0xb8;
	[tilespmem:$0x14E60] =	vst v63  }
0x5f: {  	_ =	swait.ge [sflag:s28], $0x1400  }
0x60: {  	[sflag:s28] =	ssyncset.done $0x0  }
0x61: {  	s22 =	sadd.s32 $0x2760, s20;
	[sflag:s28] =	ssyncadd.s32 $0xFFFFEC00  }
0x62: {  	[spmem:s2] =	stream.indirect.scatter.add.f32 [tilespmem:s19], [sflag:$0x6], $0x40, s22, s17, $0xb8;
	[tilespmem:$0x14E60] =	vst v63  }
0x63: {  	_ =	swait.ge [sflag:s14], $0x1400  }
0x64: {  	[sflag:s14] =	ssyncset.done $0x0  }
0x65: {  	s22 =	sadd.s32 $0x1E0, s20;
	[sflag:s14] =	ssyncadd.s32 $0xFFFFEC00  }
0x66: {  	[tilespmem:s19], [sflag:$0x2] =	stream.indirect.gather [hbm4b:s4+s17], $0x40, s22, s17, $0xb8;
	[tilespmem:$0x14E60] =	vst v63  }
0x67: {  	_ =	swait.ge [sflag:s29], $0x1400  }
0x68: {  	[sflag:s29] =	ssyncset.done $0x0  }
0x69: {  	s22 =	sadd.s32 $0x27B0, s20;
	[sflag:s29] =	ssyncadd.s32 $0xFFFFEC00  }
0x6a: {  	[spmem:s2] =	stream.indirect.scatter.add.f32 [tilespmem:s21], [sflag:$0x6], $0x40, s22, s17, $0xb8;
	[tilespmem:$0x14E60] =	vst v63  }
0x6b: {  	_ =	swait.ge [sflag:s14], $0x1400  }
0x6c: {  	[sflag:s14] =	ssyncset.done $0x0  }
0x6d: {  	s22 =	sadd.s32 $0x230, s20;
	[sflag:s14] =	ssyncadd.s32 $0xFFFFEC00  }
0x6e: {  	[tilespmem:s21], [sflag:$0x3] =	stream.indirect.gather [hbm4b:s4+s17], $0x40, s22, s17, $0xb8;
	[tilespmem:$0x14E60] =	vst v63  }
0x6f: {  	_ =	swait.ge [sflag:s30], $0x1400  }
0x70: {  	[sflag:s30] =	ssyncset.done $0x0  }
0x71: {  	s22 =	sadd.s32 $0x2800, s20;
	[sflag:s30] =	ssyncadd.s32 $0xFFFFEC00  }
0x72: {  	[spmem:s2] =	stream.indirect.scatter.add.f32 [tilespmem:s23], [sflag:$0x6], $0x40, s22, s17, $0xb8;
	[tilespmem:$0x14E60] =	vst v63  }
0x73: {  	_ =	swait.ge [sflag:s14], $0x1400  }
0x74: {  	[sflag:s14] =	ssyncset.done $0x0  }
0x75: {  	s22 =	sadd.s32 $0x280, s20;
	[sflag:s14] =	ssyncadd.s32 $0xFFFFEC00  }
0x76: {  	[tilespmem:s23], [sflag:$0x4] =	stream.indirect.gather [hbm4b:s4+s17], $0x40, s22, s17, $0xb8;
	[tilespmem:$0x14E60] =	vst v63  }
0x77: {  	_ =	swait.ge [sflag:s31], $0x1400  }
0x78: {  	[sflag:s31] =	ssyncset.done $0x0  }
.Ltmp0:
0x79: {  	s22 =	sadd.s32 $0x2850, s20;
	[sflag:s31] =	ssyncadd.s32 $0xFFFFEC00;
	(pc) =	sbr.rel @p1 .LBB2_2-.Ltmp0, $4  }
0x7a: {  	[spmem:s2] =	stream.indirect.scatter.add.f32 [tilespmem:s25], [sflag:$0x6], $0x40, s22, s17, $0xb8;
	[tilespmem:$0x14E60] =	vst v63  }
0x7b: {  	_ =	swait.ge [sflag:s14], $0x1400  }
0x7c: {  	[sflag:s14] =	ssyncset.done $0x0  }
0x7d: {  	s20 =	sadd.s32 $0x2D0, s20;
	[sflag:s14] =	ssyncadd.s32 $0xFFFFEC00  }
0x7e: {  	[tilespmem:s25], [sflag:$0x5] =	stream.indirect.gather [hbm4b:s4+s17], $0x40, s20, s17, $0xb8;
	[tilespmem:$0x14E60] =	vst v63  }
0x7f: {  	_ =	swait.ge [sflag:s26], $0x1400  }
0x80: {  	[sflag:s26] =	ssyncset.done $0x0  }
0x81: {  	s16 =	simm.s32 $0x4C90;
	[sflag:s26] =	ssyncadd.s32 $0xFFFFEC00  }
0x82: {  	[spmem:s2] =	stream.indirect.scatter.add.f32 [tilespmem:s18], [sflag:$0x6], $0x40, s16, s17, $0xb8;
	[tilespmem:$0x14E60] =	vst v63  }
0x83: {  	_ =	swait.ge [sflag:s14], $0x1400  }
0x84: {  	[sflag:s14] =	ssyncset.done $0x0  }
0x85: {  	[sflag:s14] =	ssyncadd.s32 $0xFFFFEC00  }
0x86: {  	_ =	swait.ge [sflag:s28], $0x1400  }
0x87: {  	[sflag:s28] =	ssyncset.done $0x0  }
0x88: {  	s20 =	simm.s32 $0x4CE0;
	[sflag:s28] =	ssyncadd.s32 $0xFFFFEC00  }
0x89: {  	[spmem:s2] =	stream.indirect.scatter.add.f32 [tilespmem:s19], [sflag:$0x6], $0x40, s20, s17, $0xb8;
	[tilespmem:$0x14E60] =	vst v63  }
0x8a: {  	_ =	swait.ge [sflag:s14], $0x1400  }
0x8b: {  	[sflag:s14] =	ssyncset.done $0x0  }
0x8c: {  	[sflag:s14] =	ssyncadd.s32 $0xFFFFEC00  }
0x8d: {  	_ =	swait.ge [sflag:s29], $0x1400  }
0x8e: {  	[sflag:s29] =	ssyncset.done $0x0  }
0x8f: {  	s22 =	simm.s32 $0x4D30;
	[sflag:s29] =	ssyncadd.s32 $0xFFFFEC00  }
0x90: {  	[spmem:s2] =	stream.indirect.scatter.add.f32 [tilespmem:s21], [sflag:$0x6], $0x40, s22, s17, $0xb8;
	[tilespmem:$0x14E60] =	vst v63  }
0x91: {  	_ =	swait.ge [sflag:s14], $0x1400  }
0x92: {  	[sflag:s14] =	ssyncset.done $0x0  }
0x93: {  	[sflag:s14] =	ssyncadd.s32 $0xFFFFEC00  }
0x94: {  	_ =	swait.ge [sflag:s30], $0x1400  }
0x95: {  	[sflag:s30] =	ssyncset.done $0x0  }
0x96: {  	s20 =	simm.s32 $0x4D80;
	[sflag:s30] =	ssyncadd.s32 $0xFFFFEC00  }
0x97: {  	[spmem:s2] =	stream.indirect.scatter.add.f32 [tilespmem:s23], [sflag:$0x6], $0x40, s20, s17, $0xb8;
	[tilespmem:$0x14E60] =	vst v63  }
0x98: {  	_ =	swait.ge [sflag:s14], $0x1400  }
0x99: {  	[sflag:s14] =	ssyncset.done $0x0  }
0x9a: {  	[sflag:s14] =	ssyncadd.s32 $0xFFFFEC00  }
0x9b: {  	_ =	swait.ge [sflag:s31], $0x1400  }
0x9c: {  	[sflag:s31] =	ssyncset.done $0x0  }
0x9d: {  	s22 =	simm.s32 $0x4DD0;
	[sflag:s31] =	ssyncadd.s32 $0xFFFFEC00  }
0x9e: {  	[spmem:s2] =	stream.indirect.scatter.add.f32 [tilespmem:s25], [sflag:$0x6], $0x40, s22, s17, $0xb8;
	[tilespmem:$0x14E60] =	vst v63  }
0x9f: {  	_ =	swait.ge [sflag:s14], $0x1400  }
0xa0: {  	[sflag:s14] =	ssyncset.done $0x0  }
0xa1: {  	[sflag:s14] =	ssyncadd.s32 $0xFFFFEC00  }
0xa2: {  	[bflag:$0x0] =	sbarrier.arrive $0xFFFF  }
0xa3: {  	[hbm:s10@s24], [sflag:s6] =	dma.strided [spmem:s13@s1], $0x1380, s26, $0x8   }
0xa4: {  	s0 =	sadd.s32 $0x1, s0;
	_ =	swait.ge [sflag:s14], $0x1380  }
0xa5: {  	p1 =	sne.s32 s0, s12;
	s16 =	simm.s32 @!p0 $0x1;
	[sflag:s14] =	ssyncset.done $0x0  }
0xa6: {  	s20 =	simm.s32 @!p0 $0x10;
	s22 =	simm.s32 @!p0 $0x8;
	[sflag:s14] =	ssyncadd.s32 $0xFFFFEC80  }
0xa7: {  	[hbm:s11@s20], [sflag:s6] =	dma.strided @!p0 [spmem:s15@s22], $0x80, s16, $0x8   }
.Ltmp1:
0xa8: {  	_ = 	snop;
	(pc) =	sbr.rel @p1 .LBB2_1-.Ltmp1, $4  }
0xa9: {  	s16 =	simm.s32 @!p0 $0x6  }
0xaa: {  	_ =	swait.ge @!p0 [sflag:s16], $0x80  }
0xab: {  	[sflag:s16] =	ssyncset.done @!p0 $0x0  }
0xac: {  	[sflag:s16] =	ssyncadd.s32 @!p0 $0xFFFFFF80  }
0xad: {  	_ =	sfence.sel $0x180000  }
0xae: {  	[bflag:$0x0] =	sbarrier.arrive $0xFFFF  }
0xaf: {  	_ =	strace $0x9000004A  }
0xb0: {  	s0 =	stileid.u32;
	[bflag:$0x2] =	sbarrier.arrive $0xFFFF  }
0xb1: {  	p0 =	sne.s32 s0, $0x0;
	s0 =	rddreg [dreg:$0x2]  }
0xb2: {  	s0 =	sadd.s32 @!p0 $0x100000, s0  }
0xb3: {  	[sflag:s0] =	ssyncadd.tile.s32 @!p0 $0x1;
	_ =	shalt  }
.Lfunc_end2:
_tile_overlayer_lowered:
.L_overlay_start_2:
0xb4: {  	(tag) =	ssettag $0x2  }
0xb5: {  	s0 =	rddreg [dreg:$0x0];
	s2 =	stileid.u32  }
0xb6: {  	s1 =	rddreg [dreg:$0x1];
	p0 =	sne.s32 s2, $0x0  }
0xb7: {  	s3 =	rddreg [dreg:$0x2];
	[bflag:$0x3] =	sbarrier.arrive $0xFFFF;
	s2 =	simm.s32 @!p0 $0x1C06  }
0xb8: {  	[timem:s3], [sflag:s2] =	dma.local @!p0 [hbm:s0], s1  }
0xb9: {  	s0 =	simm.s32 @!p0 $0x6  }
0xba: {  	_ =	swait.ge @!p0 [sflag:s0], s1  }
0xbb: {  	s1 =	ssub.s32 @!p0 $0x0, s1;
	[sflag:s0] =	ssyncset.done @!p0 $0x0  }
0xbc: {  	[sflag:s0] =	ssyncadd.s32 @!p0 s1  }
0xbd: {  	[bflag:$0x3] =	sbarrier.arrive $0xFFFF  }
0xbe: {  	_ =	shalt  }

// kernel: kernel.7.cloned.1.call-start
scs
__scs_entry_jumppad:
0x0: {  	(pc) =	sbr.rel $0x88, $3  }
0x1: {  	(tag) =	ssettag $0x0;
	lr =	simm.s32 $0x1  }
0x2: {  	[smem:$0x3F92] =	sst lr;
	_ =	strace $0xD0000000  }
0x3: {  	_ = 	snop  }
0x4: {  	_ = 	snop  }
0x5: {  	_ = 	snop  }
0x6: {  	_ = 	snop  }
0x7: {  	_ = 	snop  }
__scs_overlays_trampoline_lowered:
0x8: {  	[smem:$0x3FA1] =	sst s0  }
0x9: {  	[smem:$0x3FA2] =	sst s1  }
0xa: {  	[smem:$0x3FA3] =	sst s2  }
0xb: {  	[smem:$0x3FA4] =	sst s3  }
0xc: {  	[smem:$0x3FA5] =	sst s4  }
0xd: {  	[smem:$0x3FA6] =	sst s5  }
0xe: {  	[smem:$0x3FA7] =	sst s6  }
0xf: {  	[smem:$0x3FA8] =	sst s7  }
0x10: {  	[smem:$0x3FA9] =	sst s8  }
0x11: {  	[smem:$0x3FAA] =	sst s9;
	s0 =	simm.s32 @!p0 $0x0  }
0x12: {  	s1 =	sld [smem:$0x3F90];
	s0 =	simm.s32 @p0 $0x1  }
0x13: {  	[smem:$0x3FAB] =	sst s0;
	s0 =	simm.s32 @!p1 $0x0  }
0x14: {  	s2 =	sld [smem:$0x3F8F];
	s0 =	simm.s32 @p1 $0x1  }
0x15: {  	[smem:$0x3FAC] =	sst s0;
	s0 =	simm.s32 @!p2 $0x0  }
0x16: {  	s3 =	sld [smem:$0x3FDB];
	s0 =	simm.s32 @p2 $0x1  }
0x17: {  	s4 =	simm.s32 $0x1BF5;
	[smem:$0x3FAE] =	sst s0  }
0x18: {  	s0 =	sld [smem:$0x3F91];
	_ =	swait.ge [sflag:s4], $0x0  }
0x19: {  	s7 =	sld [smem:$0x3F92]  }
0x1a: {  	s8 =	sadd.s32 $0xFFFFE003, lr  }
0x1b: {  	s9 =	sadd.s32 $0xFFFFFEF7, lr;
	s5 =	simm.s32 $0xFFFFFFFF;
	p2 =	slt.u32 s8, $0xFFFFF086  }
0x1c: {  	p1 =	slt.u32 s9, $0xF7A;
	s5 =	simm.s32 @!p2 $0x0  }
0x1d: {  	s5 =	simm.s32 @p1 $0x1;
	p0 =	seq.s32 s7, s2  }
0x1e: {  	s7 =	smul.u32 @!p0 $0xF7A, s2;
	p2 =	seq.s32 @!p0 s5, $0x0  }
0x1f: {  	s9 =	smul.u32 $0xF7A, s1;
	s8 =	simm.s32 @!p0 $0x1BF5;
	p2 =	por !p2, p0  }
0x20: {  	[sflag:s8] =	ssyncset.s32 @!p0 $0xFFFFF086;
	s6 =	sadd.s32 @!p0 s3, s7;
	s7 =	simm.s32 @!p0 $0x108  }
0x21: {  	s3 =	sadd.s32 s3, s9;
	s6 =	sadd.s32 @!p0 $0x88, s6;
	s7 =	simm.s32 @p2 $0x1082  }
0x22: {  	[simem:s7], [sflag:s8] =	dma.local @!p0 [hbm:s6], $0xF7A  }
0x23: {  	s9 =	sor.u32 $0xD0000000, s2;
	s6 =	simm.s32 $0x108;
	_ =	swait.ge @!p0 [sflag:s8], $0x0  }
0x24: {  	s3 =	sadd.s32 $0x88, s3;
	s6 =	simm.s32 @!p1 $0x1082;
	[sflag:s4] =	ssyncset.s32 $0xFFFFF086  }
0x25: {  	[simem:s6], [sflag:s4] =	dma.local [hbm:s3], $0xF7A  }
0x26: {  	[smem:$0x3F92] =	sst s1;
	(tag) =	ssettag s2;
	_ =	strace s9  }
0x27: {  	s1 =	sld [smem:$0x3FA2]  }
0x28: {  	s2 =	sld [smem:$0x3FA3]  }
0x29: {  	s4 =	sld [smem:$0x3FA5]  }
0x2a: {  	p0 =	seq.s32 s5, $0x0;
	s5 =	sld [smem:$0x3FA6]  }
0x2b: {  	s6 =	sld [smem:$0x3FA7]  }
0x2c: {  	s7 =	sld [smem:$0x3FA8]  }
0x2d: {  	s3 =	simm.s32 $0x108;
	s8 =	sld [smem:$0x3FA9]  }
0x2e: {  	s3 =	simm.s32 @!p0 $0x1082;
	s9 =	sld [smem:$0x3FAA]  }
0x2f: {  	lr =	sadd.s32 s0, s3;
	s0 =	sld [smem:$0x3FA1]  }
0x30: {  	s3 =	sld [smem:$0x3FA4]  }
0x31: {  	[smem:$0x3FAD] =	sst s10  }
0x32: {  	s10 =	sld [smem:$0x3FAB];
	_ =	sdelay $0x3  }
0x33: {  	p0 =	seq.s32 s10, $0x1;
	s10 =	sld [smem:$0x3FAD];
	_ =	sdelay $0x3  }
0x34: {  	[smem:$0x3FAD] =	sst s10  }
0x35: {  	s10 =	sld [smem:$0x3FAC];
	_ =	sdelay $0x3  }
0x36: {  	p1 =	seq.s32 s10, $0x1;
	s10 =	sld [smem:$0x3FAD];
	_ =	sdelay $0x3  }
0x37: {  	[smem:$0x3FAD] =	sst s10  }
0x38: {  	s10 =	sld [smem:$0x3FAE]  }
0x39: {  	_ = 	snop;
	(pc) =	sbr.ind lr, $3  }
0x3a: {  	_ = 	snop  }
0x3b: {  	_ = 	snop  }
0x3c: {  	p2 =	seq.s32 s10, $0x1;
	s10 =	sld [smem:$0x3FAD]  }
0x3d: {  	_ =	shalt  }
0x3e: {  	_ =	shalt  }
0x3f: {  	_ =	shalt  }
0x40: {  	_ =	shalt  }
0x41: {  	_ =	shalt  }
0x42: {  	_ =	shalt  }
0x43: {  	_ =	shalt  }
0x44: {  	_ =	shalt  }
0x45: {  	_ =	shalt  }
0x46: {  	_ =	shalt  }
0x47: {  	_ =	shalt  }
0x48: {  	_ =	shalt  }
0x49: {  	_ =	shalt  }
0x4a: {  	_ =	shalt  }
0x4b: {  	_ =	shalt  }
0x4c: {  	_ =	shalt  }
0x4d: {  	_ =	shalt  }
0x4e: {  	_ =	shalt  }
0x4f: {  	_ =	shalt  }
0x50: {  	_ =	shalt  }
0x51: {  	_ =	shalt  }
0x52: {  	_ =	shalt  }
0x53: {  	_ =	shalt  }
0x54: {  	_ =	shalt  }
0x55: {  	_ =	shalt  }
0x56: {  	_ =	shalt  }
0x57: {  	_ =	shalt  }
0x58: {  	_ =	shalt  }
0x59: {  	_ =	shalt  }
0x5a: {  	_ =	shalt  }
0x5b: {  	_ =	shalt  }
0x5c: {  	_ =	shalt  }
0x5d: {  	_ =	shalt  }
0x5e: {  	_ =	shalt  }
0x5f: {  	_ =	shalt  }
0x60: {  	_ =	shalt  }
0x61: {  	_ =	shalt  }
0x62: {  	_ =	shalt  }
0x63: {  	_ =	shalt  }
0x64: {  	_ =	shalt  }
0x65: {  	_ =	shalt  }
0x66: {  	_ =	shalt  }
0x67: {  	_ =	shalt  }
0x68: {  	_ =	shalt  }
0x69: {  	_ =	shalt  }
0x6a: {  	_ =	shalt  }
0x6b: {  	_ =	shalt  }
0x6c: {  	_ =	shalt  }
0x6d: {  	_ =	shalt  }
0x6e: {  	_ =	shalt  }
0x6f: {  	_ =	shalt  }
0x70: {  	_ =	shalt  }
0x71: {  	_ =	shalt  }
0x72: {  	_ =	shalt  }
0x73: {  	_ =	shalt  }
0x74: {  	_ =	shalt  }
0x75: {  	_ =	shalt  }
0x76: {  	_ =	shalt  }
0x77: {  	_ =	shalt  }
0x78: {  	_ =	shalt  }
0x79: {  	_ =	shalt  }
0x7a: {  	_ =	shalt  }
0x7b: {  	_ =	shalt  }
0x7c: {  	_ =	shalt  }
0x7d: {  	_ =	shalt  }
0x7e: {  	_ =	shalt  }
0x7f: {  	_ =	shalt  }
0x80: {  	_ =	shalt  }
0x81: {  	_ =	shalt  }
0x82: {  	_ =	shalt  }
0x83: {  	_ =	shalt  }
0x84: {  	_ =	shalt  }
0x85: {  	_ =	shalt  }
0x86: {  	_ =	shalt  }
0x87: {  	_ =	shalt  }
.Lfunc_end0:
.L_simem_size_0:
called_computation_lowered:
.L_overlay_start_0:
0x88: {  	s2 =	sld [smem:$0x3FD9]  }
0x89: {  	s3 =	sld [smem:$0x3FFE];
	_ =	sdelay $0x1  }
0x8a: {  	s1 =	srdreg.scid  }
0x8b: {  	s0 =	sand.u32 $0x1, s1  }
0x8c: {  	s16 =	sshll.u32 s0, $0xA;
	s2 =	sadd.s32 s3, s2  }
0x8d: {  	s2 =	sadd.s32 s2, s16  }
0x8e: {  	[smem:$0x3FB9] =	sst s2  }
0x8f: {  	_ = 	snop  }
0x90: {  	(tm) =	ssettm $0x1  }
0x91: {  	s17 =	sld [smem:$0x3FFB];
	_ =	sdelay $0x3  }
0x92: {  	_ =	strace s17  }
0x93: {  	s2 =	sld [smem:$0x3FFC];
	_ =	sdelay $0x3  }
0x94: {  	_ =	strace s2  }
0x95: {  	s2 =	sld [smem:$0x3FFD];
	_ =	sdelay $0x3  }
0x96: {  	_ =	strace s2  }
0x97: {  	_ =	strace $0x8FFFFFFF  }
0x98: {  	s18 =	sld [smem:$0x3FDB];
	_ =	sdelay $0x1  }
0x99: {  	s19 =	simm.s32 $_scs_section_size  }
0x9a: {  	s4 =	simm.s32 $_size__tile_overlayer_lowered;
	s5 =	simm.s32 $_tile_overlayer_lowered  }
0x9b: {  	s22 =	simm.s32 $0x1BFF;
	s21 =	sshll.u32 s5, $0x1;
	s2 =	sadd.s32 s19, s18  }
0x9c: {  	s6 =	simm.s32 $0x0;
	s20 =	sshll.u32 s4, $0x1;
	s4 =	sadd.s32 s21, s2  }
0x9d: {  	[timem:s6], [sflag:s22] =	dma.local [hbm:s4], s20  }
0x9e: {  	_ =	swait.ge [sflag:s22], s20  }
0x9f: {  	s3 =	ssub.s32 $0x0, s20;
	[sflag:s22] =	ssyncset.done $0x0  }
0xa0: {  	[sflag:s22] =	ssyncadd.s32 s3;
	_ =	sdelay $0x1  }
0xa1: {  	s23 =	simm.s32 $0x1B8B  }
0xa2: {  	_ =	swait.ge [sflag:s23], $0x1  }
0xa3: {  	[sflag:s23] =	ssyncset.done $0x0  }
0xa4: {  	s25 =	simm.s32 $0x1B8E;
	s24 =	sld [smem:$0x3FFE];
	[sflag:s23] =	ssyncadd.s32 $0xFFFFFFFF  }
0xa5: {  	s26 =	simm.s32 $execute0_lowered;
	[smem:$0x3FD2] =	sst s25  }
0xa6: {  	s4 =	sshll.u32 s26, $0x1;
	_ =	strace $0x80000046;
	[dreg:$0x1] =	wrdreg $0xFFFFFFFF  }
0xa7: {  	s28 =	simm.s32 $_size_execute0_lowered;
	s2 =	sadd.s32 s2, s4;
	[dreg:$0x0] =	wrdreg $0x0  }
0xa8: {  	s4 =	sshll.u32 s28, $0x1;
	[dreg:$0x2] =	wrdreg s2  }
0xa9: {  	[dreg:$0x3] =	wrdreg s4  }
0xaa: {  	[dreg:$0x4] =	wrdreg $0xC0  }
0xab: {  	_ =	task [dreg:s6], $0x5FFFF  }
0xac: {  	[dreg:$0x1] =	wrdreg $0xFFFFFFFF  }
0xad: {  	[dreg:$0x0] =	wrdreg $0x60  }
0xae: {  	[dreg:$0x2] =	wrdreg s24  }
0xaf: {  	[dreg:$0x3] =	wrdreg $0xB2200  }
0xb0: {  	[dreg:$0x4] =	wrdreg $0x9  }
0xb1: {  	_ =	task.clear_ibuf [dreg:s6], $0x5FFFF;
	_ =	strace $0x90000046  }
0xb2: {  	s29 =	simm.s32 $0x9;
	_ =	strace $0x80000048  }
0xb3: {  	_ =	swait.ge [sflag:s29], $0x1  }
0xb4: {  	[sflag:s29] =	ssyncadd.s32 $0xFFFFFFFF  }
0xb5: {  	_ =	strace $0x90000048  }
0xb6: {  	_ =	sfence  }
0xb7: {  	s30 =	sld [smem:$0x0];
	_ =	sdelay $0x2  }
0xb8: {  	s31 =	sshll.u32 s1, $0xD;
	s1 =	sshrl.u32 s1, $0x2  }
0xb9: {  	s3 =	sand.u32 $0x4000, s31;
	s1 =	sadd.s32 s1, s30  }
0xba: {  	s0 =	sor.u32 s3, s0;
	s1 =	sshll.u32 s1, $0x11  }
0xbb: {  	s0 =	sor.u32 s1, s0  }
0xbc: {  	s0 =	sadd.s32 $0x8F2B, s0  }
0xbd: {  	[sflag:s0] =	ssyncadd.remote.s32 $0x1  }
0xbe: {  	_ =	sfence.sel $0xFFFF  }
0xbf: {  	[dreg:$0x0] =	wrdreg $0xFFFFFFFF;
	(pc) =	sbr.abs _section_cstart, $3  }
0xc0: {  	[dreg:$0x1] =	wrdreg $0xFFFFFFFF  }
0xc1: {  	_ =	task.clear_ibuf [dreg:s6], $0x2FFFF;
	_ =	strace $0x9FFFFFFF  }
0xc2: {  	(tm) =	ssettm $0x7FFFFFFF  }
0xc3: {  	_ =	shalt  }
tec
execute0_lowered:
.L_overlay_start_1:
0x0: {  	(tag) =	ssettag $0x1  }
0x1: {  	s0 =	srdreg.scid;
	s1 =	rddreg [dreg:$0x0]  }
0x2: {  	s14 =	stileid.u32;
	s2 =	rddreg [dreg:$0x1];
	s17 =	simm.s32 $0x50  }
0x3: {  	s18 =	simm.s32 $0x4E20;
	s19 =	simm.s32 $0x6220;
	s21 =	simm.s32 $0x7620  }
0x4: {  	s23 =	simm.s32 $0x8A20;
	s28 =	simm.s32 $0x2;
	s29 =	simm.s32 $0x3  }
0x5: {  	s30 =	simm.s32 $0x4;
	s31 =	simm.s32 $0x5;
	s0 =	sand.u32 $0x1, s0  }
0x6: {  	s6 =	smul.u32 $0x9C00, s14;
	s10 =	sadd.s32 $0x51C00, s1;
	s25 =	sshll.u32 s14, $0x6  }
0x7: {  	s11 =	smul.u32 $0x13800, s14;
	s15 =	sadd.s32 $0x9C000, s2;
	p0 =	sne.s32 s14, $0xF  }
0x8: {  	s3 =	sshll.u32 s0, $0x4;
	s7 =	ssub.s32 $0x2, s0;
	s26 =	sshll.u32 s0, $0x6  }
0x9: {  	s0 =	sshll.u32 s0, $0x3;
	s15 =	sshrl.u32 @!p0 s15, $0x3;
	s4 =	sor.u32 s14, s3  }
0xa: {  	s3 =	simm.s32 $0x0;
	s24 =	sshrl.u32 s6, $0x3;
	s8 =	sshrl.u32 s7, $0x1  }
0xb: {  	s13 =	sadd.s32 s6, s2;
	s6 =	sor.u32 $0x1C06, s25;
	s0 =	sadd.s32 s0, s10  }
0xc: {  	s14 =	simm.s32 $0x6;
	s25 =	simm.s32 $0x9E20;
	s5 =	smul.u32 $0x2710, s4  }
0xd: {  	[smem:$0x7FF] =	sst s3;
	s4 =	sadd.s32 $0x17000, s1;
	s12 =	ssub.s32 s7, s8  }
0xe: {  	s7 =	sadd.s32 $0x51A00, s1;
	s13 =	sshrl.u32 s13, $0x3;
	s5 =	sshrl.u32 s5, $0x3  }
0xf: {  	_ =	strace $0x80000047;
	s12 =	smax.u32 s12, $0x1;
	s9 =	sadd.s32 s5, s1  }
0x10: {  	s5 =	sadd.s32 s24, s1;
	s1 =	sor.u32 s26, s11;
	s11 =	sadd.s32 $0x27000, s0  }
0x11: {  	s26 =	simm.s32 $0x1;
	s24 =	simm.s32 $0x10;
	s0 =	simm.s32 $0x0  }
0x12: {  	s5 =	sadd.s32 $0x3E200, s5;
	s8 =	sadd.s32 $0x3600, s9;
	s1 =	sshrl.u32 s1, $0x3  }
0x13: {  	s9 =	sadd.s32 $0xD240, s9;
	s10 =	sadd.s32 s10, s1;
	s1 =	simm.s32 $0x8  }
.LBB2_1:
0x14: {  	[spmem:s13], [sflag:s6] =	dma.local [hbm:s5], $0x1380  }
0x15: {  	_ =	swait.ge [sflag:s14], $0x1380  }
0x16: {  	[sflag:s14] =	ssyncset.done $0x0  }
0x17: {  	s16 =	simm.s32 @!p0 $0x6;
	[sflag:s14] =	ssyncadd.s32 $0xFFFFEC80  }
0x18: {  	[spmem:s15], [sflag:s6] =	dma.local @!p0 [hbm:s7], $0x80  }
0x19: {  	_ =	swait.ge @!p0 [sflag:s16], $0x80  }
0x1a: {  	[sflag:s16] =	ssyncset.done @!p0 $0x0  }
0x1b: {  	[sflag:s16] =	ssyncadd.s32 @!p0 $0xFFFFFF80  }
0x1c: {  	[tilespmem:s3], [sflag:$0x6] =	stream.linear.gather [hbm4b:s8+s3], $0x2710, $0x38;
	[tilespmem:$0x14E60] =	vst v63  }
0x1d: {  	_ =	swait.ge [sflag:s14], $0x2710  }
0x1e: {  	[sflag:s14] =	ssyncset.done $0x0  }
0x1f: {  	s22 =	simm.s32 $0x2710;
	[sflag:s14] =	ssyncadd.s32 $0xFFFFD8F0  }
0x20: {  	[tilespmem:s22], [sflag:$0x6] =	stream.linear.gather [hbm4b:s9+s3], $0x2710, $0x38;
	[tilespmem:$0x14E60] =	vst v63  }
0x21: {  	_ =	swait.ge [sflag:s14], $0x2710  }
0x22: {  	[sflag:s14] =	ssyncset.done $0x0  }
0x23: {  	[sflag:s14] =	ssyncadd.s32 $0xFFFFD8F0  }
0x24: {  	[bflag:$0x0] =	sbarrier.arrive $0xFFFF  }
0x25: {  	[tilespmem:s18], [sflag:$0x1] =	stream.indirect.gather [hbm4b:s4+s17], $0x40, s3, s17, $0xb8;
	[tilespmem:$0x14E60] =	vst v63  }
0x26: {  	_ = 	snop  }
0x27: {  	[tilespmem:s19], [sflag:$0x2] =	stream.indirect.gather [hbm4b:s4+s17], $0x40, s17, s17, $0xb8;
	[tilespmem:$0x14E60] =	vst v63  }
0x28: {  	s20 =	simm.s32 $0xA0  }
0x29: {  	[tilespmem:s21], [sflag:$0x3] =	stream.indirect.gather [hbm4b:s4+s17], $0x40, s20, s17, $0xb8;
	[tilespmem:$0x14E60] =	vst v63  }
0x2a: {  	s22 =	simm.s32 $0xF0  }
0x2b: {  	[tilespmem:s23], [sflag:$0x4] =	stream.indirect.gather [hbm4b:s4+s17], $0x40, s22, s17, $0xb8;
	[tilespmem:$0x14E60] =	vst v63  }
0x2c: {  	s20 =	simm.s32 $0x140  }
0x2d: {  	[tilespmem:s25], [sflag:$0x5] =	stream.indirect.gather [hbm4b:s4+s17], $0x40, s20, s17, $0xb8;
	[tilespmem:$0x14E60] =	vst v63  }
0x2e: {  	_ =	swait.ge [sflag:s26], $0x1400  }
0x2f: {  	[sflag:s26] =	ssyncset.done $0x0  }
0x30: {  	s22 =	simm.s32 $0x2710;
	[sflag:s26] =	ssyncadd.s32 $0xFFFFEC00  }
0x31: {  	[spmem:s2] =	stream.indirect.scatter.add.f32 [tilespmem:s18], [sflag:$0x6], $0x40, s22, s17, $0xb8;
	[tilespmem:$0x14E60] =	vst v63  }
0x32: {  	_ =	swait.ge [sflag:s14], $0x1400  }
0x33: {  	[sflag:s14] =	ssyncset.done $0x0  }
0x34: {  	s20 =	simm.s32 $0x190;
	[sflag:s14] =	ssyncadd.s32 $0xFFFFEC00  }
0x35: {  	[tilespmem:s18], [sflag:$0x1] =	stream.indirect.gather [hbm4b:s4+s17], $0x40, s20, s17, $0xb8;
	[tilespmem:$0x14E60] =	vst v63  }
0x36: {  	_ =	swait.ge [sflag:s28], $0x1400  }
0x37: {  	[sflag:s28] =	ssyncset.done $0x0  }
0x38: {  	s22 =	simm.s32 $0x2760;
	[sflag:s28] =	ssyncadd.s32 $0xFFFFEC00  }
0x39: {  	[spmem:s2] =	stream.indirect.scatter.add.f32 [tilespmem:s19], [sflag:$0x6], $0x40, s22, s17, $0xb8;
	[tilespmem:$0x14E60] =	vst v63  }
0x3a: {  	_ =	swait.ge [sflag:s14], $0x1400  }
0x3b: {  	[sflag:s14] =	ssyncset.done $0x0  }
0x3c: {  	s20 =	simm.s32 $0x1E0;
	[sflag:s14] =	ssyncadd.s32 $0xFFFFEC00  }
0x3d: {  	[tilespmem:s19], [sflag:$0x2] =	stream.indirect.gather [hbm4b:s4+s17], $0x40, s20, s17, $0xb8;
	[tilespmem:$0x14E60] =	vst v63  }
0x3e: {  	_ =	swait.ge [sflag:s29], $0x1400  }
0x3f: {  	[sflag:s29] =	ssyncset.done $0x0  }
0x40: {  	s22 =	simm.s32 $0x27B0;
	[sflag:s29] =	ssyncadd.s32 $0xFFFFEC00  }
0x41: {  	[spmem:s2] =	stream.indirect.scatter.add.f32 [tilespmem:s21], [sflag:$0x6], $0x40, s22, s17, $0xb8;
	[tilespmem:$0x14E60] =	vst v63  }
0x42: {  	_ =	swait.ge [sflag:s14], $0x1400  }
0x43: {  	[sflag:s14] =	ssyncset.done $0x0  }
0x44: {  	s20 =	simm.s32 $0x230;
	[sflag:s14] =	ssyncadd.s32 $0xFFFFEC00  }
0x45: {  	[tilespmem:s21], [sflag:$0x3] =	stream.indirect.gather [hbm4b:s4+s17], $0x40, s20, s17, $0xb8;
	[tilespmem:$0x14E60] =	vst v63  }
0x46: {  	_ =	swait.ge [sflag:s30], $0x1400  }
0x47: {  	[sflag:s30] =	ssyncset.done $0x0  }
0x48: {  	s22 =	simm.s32 $0x2800;
	[sflag:s30] =	ssyncadd.s32 $0xFFFFEC00  }
0x49: {  	[spmem:s2] =	stream.indirect.scatter.add.f32 [tilespmem:s23], [sflag:$0x6], $0x40, s22, s17, $0xb8;
	[tilespmem:$0x14E60] =	vst v63  }
0x4a: {  	_ =	swait.ge [sflag:s14], $0x1400  }
0x4b: {  	[sflag:s14] =	ssyncset.done $0x0  }
0x4c: {  	s20 =	simm.s32 $0x280;
	[sflag:s14] =	ssyncadd.s32 $0xFFFFEC00  }
0x4d: {  	[tilespmem:s23], [sflag:$0x4] =	stream.indirect.gather [hbm4b:s4+s17], $0x40, s20, s17, $0xb8;
	[tilespmem:$0x14E60] =	vst v63  }
0x4e: {  	_ =	swait.ge [sflag:s31], $0x1400  }
0x4f: {  	[sflag:s31] =	ssyncset.done $0x0  }
0x50: {  	s22 =	simm.s32 $0x2850;
	[sflag:s31] =	ssyncadd.s32 $0xFFFFEC00  }
0x51: {  	[spmem:s2] =	stream.indirect.scatter.add.f32 [tilespmem:s25], [sflag:$0x6], $0x40, s22, s17, $0xb8;
	[tilespmem:$0x14E60] =	vst v63  }
0x52: {  	_ =	swait.ge [sflag:s14], $0x1400  }
0x53: {  	[sflag:s14] =	ssyncset.done $0x0  }
0x54: {  	s16 =	simm.s32 $0x640;
	s20 =	simm.s32 $0x2D0;
	[sflag:s14] =	ssyncadd.s32 $0xFFFFEC00  }
.LBB2_2:
0x55: {  	[tilespmem:s25], [sflag:$0x5] =	stream.indirect.gather [hbm4b:s4+s17], $0x40, s20, s17, $0xb8;
	[tilespmem:$0x14E60] =	vst v63  }
0x56: {  	s20 =	smov.u32 s16  }
0x57: {  	p1 =	sne.s32 s16, $0x8FC0;
	s16 =	sadd.s32 $0x640, s16;
	_ =	swait.ge [sflag:s26], $0x1400  }
0x58: {  	s20 =	sshra.s32 s20, $0x2;
	[sflag:s26] =	ssyncset.done $0x0  }
0x59: {  	s22 =	sadd.s32 $0x2710, s20;
	[sflag:s26] =	ssyncadd.s32 $0xFFFFEC00  }
0x5a: {  	[spmem:s2] =	stream.indirect.scatter.add.f32 [tilespmem:s18], [sflag:$0x6], $0x40, s22, s17, $0xb8;
	[tilespmem:$0x14E60] =	vst v63  }
0x5b: {  	_ =	swait.ge [sflag:s14], $0x1400  }
0x5c: {  	[sflag:s14] =	ssyncset.done $0x0  }
0x5d: {  	s22 =	sadd.s32 $0x190, s20;
	[sflag:s14] =	ssyncadd.s32 $0xFFFFEC00  }
0x5e: {  	[tilespmem:s18], [sflag:$0x1] =	stream.indirect.gather [hbm4b:s4+s17], $0x40, s22, s17, $0xb8;
	[tilespmem:$0x14E60] =	vst v63  }
0x5f: {  	_ =	swait.ge [sflag:s28], $0x1400  }
0x60: {  	[sflag:s28] =	ssyncset.done $0x0  }
0x61: {  	s22 =	sadd.s32 $0x2760, s20;
	[sflag:s28] =	ssyncadd.s32 $0xFFFFEC00  }
0x62: {  	[spmem:s2] =	stream.indirect.scatter.add.f32 [tilespmem:s19], [sflag:$0x6], $0x40, s22, s17, $0xb8;
	[tilespmem:$0x14E60] =	vst v63  }
0x63: {  	_ =	swait.ge [sflag:s14], $0x1400  }
0x64: {  	[sflag:s14] =	ssyncset.done $0x0  }
0x65: {  	s22 =	sadd.s32 $0x1E0, s20;
	[sflag:s14] =	ssyncadd.s32 $0xFFFFEC00  }
0x66: {  	[tilespmem:s19], [sflag:$0x2] =	stream.indirect.gather [hbm4b:s4+s17], $0x40, s22, s17, $0xb8;
	[tilespmem:$0x14E60] =	vst v63  }
0x67: {  	_ =	swait.ge [sflag:s29], $0x1400  }
0x68: {  	[sflag:s29] =	ssyncset.done $0x0  }
0x69: {  	s22 =	sadd.s32 $0x27B0, s20;
	[sflag:s29] =	ssyncadd.s32 $0xFFFFEC00  }
0x6a: {  	[spmem:s2] =	stream.indirect.scatter.add.f32 [tilespmem:s21], [sflag:$0x6], $0x40, s22, s17, $0xb8;
	[tilespmem:$0x14E60] =	vst v63  }
0x6b: {  	_ =	swait.ge [sflag:s14], $0x1400  }
0x6c: {  	[sflag:s14] =	ssyncset.done $0x0  }
0x6d: {  	s22 =	sadd.s32 $0x230, s20;
	[sflag:s14] =	ssyncadd.s32 $0xFFFFEC00  }
0x6e: {  	[tilespmem:s21], [sflag:$0x3] =	stream.indirect.gather [hbm4b:s4+s17], $0x40, s22, s17, $0xb8;
	[tilespmem:$0x14E60] =	vst v63  }
0x6f: {  	_ =	swait.ge [sflag:s30], $0x1400  }
0x70: {  	[sflag:s30] =	ssyncset.done $0x0  }
0x71: {  	s22 =	sadd.s32 $0x2800, s20;
	[sflag:s30] =	ssyncadd.s32 $0xFFFFEC00  }
0x72: {  	[spmem:s2] =	stream.indirect.scatter.add.f32 [tilespmem:s23], [sflag:$0x6], $0x40, s22, s17, $0xb8;
	[tilespmem:$0x14E60] =	vst v63  }
0x73: {  	_ =	swait.ge [sflag:s14], $0x1400  }
0x74: {  	[sflag:s14] =	ssyncset.done $0x0  }
0x75: {  	s22 =	sadd.s32 $0x280, s20;
	[sflag:s14] =	ssyncadd.s32 $0xFFFFEC00  }
0x76: {  	[tilespmem:s23], [sflag:$0x4] =	stream.indirect.gather [hbm4b:s4+s17], $0x40, s22, s17, $0xb8;
	[tilespmem:$0x14E60] =	vst v63  }
0x77: {  	_ =	swait.ge [sflag:s31], $0x1400  }
0x78: {  	[sflag:s31] =	ssyncset.done $0x0  }
.Ltmp0:
0x79: {  	s22 =	sadd.s32 $0x2850, s20;
	[sflag:s31] =	ssyncadd.s32 $0xFFFFEC00;
	(pc) =	sbr.rel @p1 .LBB2_2-.Ltmp0, $4  }
0x7a: {  	[spmem:s2] =	stream.indirect.scatter.add.f32 [tilespmem:s25], [sflag:$0x6], $0x40, s22, s17, $0xb8;
	[tilespmem:$0x14E60] =	vst v63  }
0x7b: {  	_ =	swait.ge [sflag:s14], $0x1400  }
0x7c: {  	[sflag:s14] =	ssyncset.done $0x0  }
0x7d: {  	s20 =	sadd.s32 $0x2D0, s20;
	[sflag:s14] =	ssyncadd.s32 $0xFFFFEC00  }
0x7e: {  	[tilespmem:s25], [sflag:$0x5] =	stream.indirect.gather [hbm4b:s4+s17], $0x40, s20, s17, $0xb8;
	[tilespmem:$0x14E60] =	vst v63  }
0x7f: {  	_ =	swait.ge [sflag:s26], $0x1400  }
0x80: {  	[sflag:s26] =	ssyncset.done $0x0  }
0x81: {  	s16 =	simm.s32 $0x4C90;
	[sflag:s26] =	ssyncadd.s32 $0xFFFFEC00  }
0x82: {  	[spmem:s2] =	stream.indirect.scatter.add.f32 [tilespmem:s18], [sflag:$0x6], $0x40, s16, s17, $0xb8;
	[tilespmem:$0x14E60] =	vst v63  }
0x83: {  	_ =	swait.ge [sflag:s14], $0x1400  }
0x84: {  	[sflag:s14] =	ssyncset.done $0x0  }
0x85: {  	[sflag:s14] =	ssyncadd.s32 $0xFFFFEC00  }
0x86: {  	_ =	swait.ge [sflag:s28], $0x1400  }
0x87: {  	[sflag:s28] =	ssyncset.done $0x0  }
0x88: {  	s20 =	simm.s32 $0x4CE0;
	[sflag:s28] =	ssyncadd.s32 $0xFFFFEC00  }
0x89: {  	[spmem:s2] =	stream.indirect.scatter.add.f32 [tilespmem:s19], [sflag:$0x6], $0x40, s20, s17, $0xb8;
	[tilespmem:$0x14E60] =	vst v63  }
0x8a: {  	_ =	swait.ge [sflag:s14], $0x1400  }
0x8b: {  	[sflag:s14] =	ssyncset.done $0x0  }
0x8c: {  	[sflag:s14] =	ssyncadd.s32 $0xFFFFEC00  }
0x8d: {  	_ =	swait.ge [sflag:s29], $0x1400  }
0x8e: {  	[sflag:s29] =	ssyncset.done $0x0  }
0x8f: {  	s22 =	simm.s32 $0x4D30;
	[sflag:s29] =	ssyncadd.s32 $0xFFFFEC00  }
0x90: {  	[spmem:s2] =	stream.indirect.scatter.add.f32 [tilespmem:s21], [sflag:$0x6], $0x40, s22, s17, $0xb8;
	[tilespmem:$0x14E60] =	vst v63  }
0x91: {  	_ =	swait.ge [sflag:s14], $0x1400  }
0x92: {  	[sflag:s14] =	ssyncset.done $0x0  }
0x93: {  	[sflag:s14] =	ssyncadd.s32 $0xFFFFEC00  }
0x94: {  	_ =	swait.ge [sflag:s30], $0x1400  }
0x95: {  	[sflag:s30] =	ssyncset.done $0x0  }
0x96: {  	s20 =	simm.s32 $0x4D80;
	[sflag:s30] =	ssyncadd.s32 $0xFFFFEC00  }
0x97: {  	[spmem:s2] =	stream.indirect.scatter.add.f32 [tilespmem:s23], [sflag:$0x6], $0x40, s20, s17, $0xb8;
	[tilespmem:$0x14E60] =	vst v63  }
0x98: {  	_ =	swait.ge [sflag:s14], $0x1400  }
0x99: {  	[sflag:s14] =	ssyncset.done $0x0  }
0x9a: {  	[sflag:s14] =	ssyncadd.s32 $0xFFFFEC00  }
0x9b: {  	_ =	swait.ge [sflag:s31], $0x1400  }
0x9c: {  	[sflag:s31] =	ssyncset.done $0x0  }
0x9d: {  	s22 =	simm.s32 $0x4DD0;
	[sflag:s31] =	ssyncadd.s32 $0xFFFFEC00  }
0x9e: {  	[spmem:s2] =	stream.indirect.scatter.add.f32 [tilespmem:s25], [sflag:$0x6], $0x40, s22, s17, $0xb8;
	[tilespmem:$0x14E60] =	vst v63  }
0x9f: {  	_ =	swait.ge [sflag:s14], $0x1400  }
0xa0: {  	[sflag:s14] =	ssyncset.done $0x0  }
0xa1: {  	[sflag:s14] =	ssyncadd.s32 $0xFFFFEC00  }
0xa2: {  	[bflag:$0x0] =	sbarrier.arrive $0xFFFF  }
0xa3: {  	[hbm:s10@s24], [sflag:s6] =	dma.strided [spmem:s13@s1], $0x1380, s26, $0x8   }
0xa4: {  	s0 =	sadd.s32 $0x1, s0;
	_ =	swait.ge [sflag:s14], $0x1380  }
0xa5: {  	p1 =	sne.s32 s0, s12;
	s16 =	simm.s32 @!p0 $0x1;
	[sflag:s14] =	ssyncset.done $0x0  }
0xa6: {  	s20 =	simm.s32 @!p0 $0x10;
	s22 =	simm.s32 @!p0 $0x8;
	[sflag:s14] =	ssyncadd.s32 $0xFFFFEC80  }
0xa7: {  	[hbm:s11@s20], [sflag:s6] =	dma.strided @!p0 [spmem:s15@s22], $0x80, s16, $0x8   }
.Ltmp1:
0xa8: {  	_ = 	snop;
	(pc) =	sbr.rel @p1 .LBB2_1-.Ltmp1, $4  }
0xa9: {  	s16 =	simm.s32 @!p0 $0x6  }
0xaa: {  	_ =	swait.ge @!p0 [sflag:s16], $0x80  }
0xab: {  	[sflag:s16] =	ssyncset.done @!p0 $0x0  }
0xac: {  	[sflag:s16] =	ssyncadd.s32 @!p0 $0xFFFFFF80  }
0xad: {  	_ =	sfence.sel $0x180000  }
0xae: {  	[bflag:$0x0] =	sbarrier.arrive $0xFFFF  }
0xaf: {  	_ =	strace $0x90000047  }
0xb0: {  	s0 =	stileid.u32;
	[bflag:$0x2] =	sbarrier.arrive $0xFFFF  }
0xb1: {  	p0 =	sne.s32 s0, $0x0;
	s0 =	rddreg [dreg:$0x2]  }
0xb2: {  	s0 =	sadd.s32 @!p0 $0x100000, s0  }
0xb3: {  	[sflag:s0] =	ssyncadd.tile.s32 @!p0 $0x1;
	_ =	shalt  }
.Lfunc_end2:
_tile_overlayer_lowered:
.L_overlay_start_2:
0xb4: {  	(tag) =	ssettag $0x2  }
0xb5: {  	s0 =	rddreg [dreg:$0x0];
	s2 =	stileid.u32  }
0xb6: {  	s1 =	rddreg [dreg:$0x1];
	p0 =	sne.s32 s2, $0x0  }
0xb7: {  	s3 =	rddreg [dreg:$0x2];
	[bflag:$0x3] =	sbarrier.arrive $0xFFFF;
	s2 =	simm.s32 @!p0 $0x1C06  }
0xb8: {  	[timem:s3], [sflag:s2] =	dma.local @!p0 [hbm:s0], s1  }
0xb9: {  	s0 =	simm.s32 @!p0 $0x6  }
0xba: {  	_ =	swait.ge @!p0 [sflag:s0], s1  }
0xbb: {  	s1 =	ssub.s32 @!p0 $0x0, s1;
	[sflag:s0] =	ssyncset.done @!p0 $0x0  }
0xbc: {  	[sflag:s0] =	ssyncadd.s32 @!p0 s1  }
0xbd: {  	[bflag:$0x3] =	sbarrier.arrive $0xFFFF  }
0xbe: {  	_ =	shalt  }

</sc_bundles>
